<compile_context>
chip_gen: v7x
topology: tpu7x:2x2x1
jax: 0.10.2.dev20260603
libtpu: 0.0.44.dev20260713+nightly
codegen_flags: <defaults>
</compile_context>

<pallas_src>
import jax
import jax.numpy as jnp
from jax import lax
from jax.experimental import pallas as pl
from jax.experimental.pallas import tpu as pltpu
from jax.experimental.pallas import tpu_sc as plsc

N = 10000
D = 128
E = 320000
EPS = 1e-5

NC = 2
NS = 16
NW = NC * NS
EPW = E // NW
CH = 125
NCH = EPW // CH
HNCH = NCH // 2
N2 = 10240
ZCH = 120
RPS = N2 // NS
RREM = RPS - (RPS // ZCH) * ZCH
DEG_W = 8
NPAD = 10240
DRPS = NPAD // NS

_sc_mesh = plsc.VectorSubcoreMesh(core_axis_name="c", subcore_axis_name="s")


def _deg_body(dst_hbm, ones_hbm, zeros_hbm, out_hbm, dst_v, val_v, zb_v, deg_sh):
    c = lax.axis_index("c")
    s = lax.axis_index("s")
    w = c * NS + s
    pltpu.sync_copy(zeros_hbm, zb_v)
    pltpu.sync_copy(zb_v, deg_sh.at[pl.ds(s * DRPS, DRPS), :])
    pltpu.sync_copy(ones_hbm, val_v)
    pltpu.sync_copy(dst_hbm.at[w], dst_v)
    plsc.subcore_barrier()

    @pl.loop(0, NCH)
    def _scatter(j):
        pltpu.sync_copy(val_v, deg_sh.at[dst_v.at[j]], add=True)

    plsc.subcore_barrier()
    pltpu.sync_copy(deg_sh.at[pl.ds(s * DRPS, DRPS), :], zb_v)
    pltpu.sync_copy(zb_v, out_hbm.at[c, pl.ds(s * DRPS, DRPS), :])


_deg_kernel = pl.kernel(
    _deg_body,
    out_type=jax.ShapeDtypeStruct((NC, NPAD, DEG_W), jnp.float32),
    mesh=_sc_mesh,
    scratch_types=[
        pltpu.VMEM((NCH, CH), jnp.int32),
        pltpu.VMEM((CH, DEG_W), jnp.float32),
        pltpu.VMEM((DRPS, DEG_W), jnp.float32),
        pltpu.VMEM_SHARED((NPAD, DEG_W), jnp.float32),
    ],
    compiler_params=pltpu.CompilerParams(use_tc_tiling_on_sc=False),
)


def _edge_body(g_hbm, src_hbm, dst_hbm, zrows_hbm, out_hbm,
               src_v, dst_v, rows_a, rows_b, acc_sh, sem_a, sem_b):
    c = lax.axis_index("c")
    s = lax.axis_index("s")
    w = c * NS + s
    pltpu.sync_copy(zrows_hbm, rows_a.at[pl.ds(0, ZCH), :])
    base = s * RPS
    for k in range(RPS // ZCH):
        pltpu.sync_copy(rows_a.at[pl.ds(0, ZCH), :],
                        acc_sh.at[pl.ds(base + k * ZCH, ZCH), :])
    pltpu.sync_copy(rows_a.at[pl.ds(0, RREM), :],
                    acc_sh.at[pl.ds(base + (RPS // ZCH) * ZCH, RREM), :])
    plsc.subcore_barrier()

    for half in range(2):
        pltpu.sync_copy(src_hbm.at[w, pl.ds(half * HNCH, HNCH), :], src_v)
        pltpu.sync_copy(dst_hbm.at[w, pl.ds(half * HNCH, HNCH), :], dst_v)
        pltpu.async_copy(g_hbm.at[src_v.at[0]], rows_a, sem_a)

        @pl.loop(0, HNCH, step=2)
        def _pair(j):
            pltpu.async_copy(g_hbm.at[src_v.at[j + 1]], rows_b, sem_b)
            pltpu.make_async_copy(g_hbm.at[src_v.at[j]], rows_a, sem_a).wait()
            pltpu.sync_copy(rows_a, acc_sh.at[dst_v.at[j]], add=True)

            @pl.when(j + 2 < HNCH)
            def _():
                pltpu.async_copy(g_hbm.at[src_v.at[j + 2]], rows_a, sem_a)

            pltpu.make_async_copy(g_hbm.at[src_v.at[j + 1]], rows_b, sem_b).wait()
            pltpu.sync_copy(rows_b, acc_sh.at[dst_v.at[j + 1]], add=True)

    plsc.subcore_barrier()
    for k in range(RPS // ZCH):
        pltpu.sync_copy(acc_sh.at[pl.ds(base + k * ZCH, ZCH), :],
                        rows_a.at[pl.ds(0, ZCH), :])
        pltpu.sync_copy(rows_a.at[pl.ds(0, ZCH), :],
                        out_hbm.at[c, pl.ds(base + k * ZCH, ZCH), :])
    pltpu.sync_copy(acc_sh.at[pl.ds(base + (RPS // ZCH) * ZCH, RREM), :],
                    rows_a.at[pl.ds(0, RREM), :])
    pltpu.sync_copy(rows_a.at[pl.ds(0, RREM), :],
                    out_hbm.at[c, pl.ds(base + (RPS // ZCH) * ZCH, RREM), :])


_edge_kernel = pl.kernel(
    _edge_body,
    out_type=jax.ShapeDtypeStruct((NC, N2, D), jnp.float32),
    mesh=_sc_mesh,
    scratch_types=[
        pltpu.VMEM((HNCH, CH), jnp.int32),
        pltpu.VMEM((HNCH, CH), jnp.int32),
        pltpu.VMEM((CH, D), jnp.float32),
        pltpu.VMEM((CH, D), jnp.float32),
        pltpu.VMEM_SHARED((N2, D), jnp.float32),
        pltpu.SemaphoreType.DMA,
        pltpu.SemaphoreType.DMA,
    ],
    compiler_params=pltpu.CompilerParams(use_tc_tiling_on_sc=False),
)


_MB = 1000


def _mm_body(x_ref, w_ref, o_ref):
    o_ref[...] = jnp.dot(x_ref[...], w_ref[...],
                         preferred_element_type=jnp.float32)


_mm = pl.pallas_call(
    _mm_body,
    grid=(N // _MB,),
    in_specs=[pl.BlockSpec((_MB, D), lambda i: (i, 0)),
              pl.BlockSpec((D, D), lambda i: (0, 0))],
    out_specs=pl.BlockSpec((_MB, D), lambda i: (i, 0)),
    out_shape=jax.ShapeDtypeStruct((N, D), jnp.float32),
)


def _scale_body(h_ref, degp_ref, g_ref, dinv_ref):
    d = degp_ref[0, :, 0:1] + degp_ref[1, :, 0:1] + 1.0
    dv = lax.rsqrt(d)
    g_ref[...] = h_ref[...] * dv
    dinv_ref[...] = jnp.broadcast_to(dv, (_MB, DEG_W))


_scale = pl.pallas_call(
    _scale_body,
    grid=(N // _MB,),
    in_specs=[pl.BlockSpec((_MB, D), lambda i: (i, 0)),
              pl.BlockSpec((NC, _MB, DEG_W), lambda i: (0, i, 0))],
    out_specs=[pl.BlockSpec((_MB, D), lambda i: (i, 0)),
               pl.BlockSpec((_MB, DEG_W), lambda i: (i, 0))],
    out_shape=[jax.ShapeDtypeStruct((N, D), jnp.float32),
               jax.ShapeDtypeStruct((N, DEG_W), jnp.float32)],
)


def _bn1_body(accp_ref, g_ref, dinv_ref, pre_ref, s1_ref, s2_ref):
    i = pl.program_id(0)
    pre = (accp_ref[0] + accp_ref[1] + g_ref[...]) * dinv_ref[:, 0:1]
    pre_ref[...] = pre

    @pl.when(i == 0)
    def _():
        s1_ref[...] = jnp.zeros_like(s1_ref)
        s2_ref[...] = jnp.zeros_like(s2_ref)

    ps1 = jnp.sum(pre, axis=0, keepdims=True)
    ps2 = jnp.sum(pre * pre, axis=0, keepdims=True)
    s1_ref[...] += jnp.broadcast_to(ps1, (8, D))
    s2_ref[...] += jnp.broadcast_to(ps2, (8, D))


_bn1 = pl.pallas_call(
    _bn1_body,
    grid=(N // _MB,),
    in_specs=[pl.BlockSpec((NC, _MB, D), lambda i: (0, i, 0)),
              pl.BlockSpec((_MB, D), lambda i: (i, 0)),
              pl.BlockSpec((_MB, DEG_W), lambda i: (i, 0))],
    out_specs=[pl.BlockSpec((_MB, D), lambda i: (i, 0)),
               pl.BlockSpec((8, D), lambda i: (0, 0)),
               pl.BlockSpec((8, D), lambda i: (0, 0))],
    out_shape=[jax.ShapeDtypeStruct((N, D), jnp.float32),
               jax.ShapeDtypeStruct((8, D), jnp.float32),
               jax.ShapeDtypeStruct((8, D), jnp.float32)],
)


def _bn2_body(pre_ref, s1_ref, s2_ref, gamma_ref, beta_ref, o_ref):
    mean = s1_ref[0:1, :] * (1.0 / N)
    var = s2_ref[0:1, :] * (1.0 / N) - mean * mean
    scale = lax.rsqrt(var + EPS) * gamma_ref[...]
    o_ref[...] = jnp.maximum((pre_ref[...] - mean) * scale + beta_ref[...], 0.0)


_bn2 = pl.pallas_call(
    _bn2_body,
    grid=(N // _MB,),
    in_specs=[pl.BlockSpec((_MB, D), lambda i: (i, 0)),
              pl.BlockSpec((8, D), lambda i: (0, 0)),
              pl.BlockSpec((8, D), lambda i: (0, 0)),
              pl.BlockSpec((1, D), lambda i: (0, 0)),
              pl.BlockSpec((1, D), lambda i: (0, 0))],
    out_specs=pl.BlockSpec((_MB, D), lambda i: (i, 0)),
    out_shape=jax.ShapeDtypeStruct((N, D), jnp.float32),
)


def kernel(x, edge_index, W, b, gamma, beta):
    del b
    src = edge_index[0].astype(jnp.int32).reshape(NW, NCH, CH)
    dst = edge_index[1].astype(jnp.int32).reshape(NW, NCH, CH)
    ones8 = jnp.ones((CH, DEG_W), jnp.float32)
    zeros8 = jnp.zeros((DRPS, DEG_W), jnp.float32)
    zrows = jnp.zeros((ZCH, D), jnp.float32)

    degp = _deg_kernel(dst, ones8, zeros8)
    h = _mm(x, W)
    g, dinv8 = _scale(h, degp)
    accp = _edge_kernel(g, src, dst, zrows)
    pre, s1, s2 = _bn1(accp, g, dinv8)
    return _bn2(pre, s1, s2, gamma.reshape(1, D), beta.reshape(1, D))

# --- scband reference (transcript-rebuilt; emitter-appended) ---
"""Pipeline reference for scband-gcnblock-30202210025887 (READ-ONLY COPY).

The authoritative reference and input builder live on the scoring server;
editing this copy changes nothing except your own understanding.
"""

import jax, jax.numpy as jnp
import numpy as np

N_NODES = 10000
N_EDGES = 320000
D_IN = 128
D_OUT = 128
EPS = 1e-5


def setup_inputs(seed: int = 0) -> dict:
    key = jax.random.key(seed)
    k1, k2, k3, k4, k5, k6 = jax.random.split(key, 6)
    x = jax.random.normal(k1, (N_NODES, D_IN), dtype=jnp.float32)
    edge_index = jax.random.randint(k2, (2, N_EDGES), 0, N_NODES, dtype=jnp.int64)
    # GCNConv linear weight (glorot) and zero bias
    limit = jnp.sqrt(6.0 / (D_IN + D_OUT))
    W = jax.random.uniform(k3, (D_IN, D_OUT), dtype=jnp.float32, minval=-limit, maxval=limit)
    b = jnp.zeros((D_OUT,), dtype=jnp.float32)
    # BatchNorm affine params
    gamma = jnp.ones((D_OUT,), dtype=jnp.float32)
    beta = jnp.zeros((D_OUT,), dtype=jnp.float32)
    return {"x": x, "edge_index": edge_index, "W": W, "b": b, "gamma": gamma, "beta": beta}


def reference(x, edge_index, W, b, gamma, beta):
    N = x.shape[0]
    # --- GCNConv: add self-loops, symmetric normalization ---
    loop = jnp.arange(N, dtype=edge_index.dtype)
    src = jnp.concatenate([edge_index[0], loop])
    dst = jnp.concatenate([edge_index[1], loop])
    h = x @ W  # [N, D_OUT]
    deg = jnp.zeros((N,), dtype=h.dtype).at[dst].add(1.0)
    dinv = jnp.where(deg > 0, jax.lax.rsqrt(deg), 0.0)
    norm = dinv[src] * dinv[dst]  # [E+N]
    msg = h[src] * norm[:, None]  # gather + scale
    out = jnp.zeros((N, h.shape[1]), dtype=h.dtype).at[dst].add(msg)  # scatter-add
    out = out + b
    # --- BatchNorm1d (training-mode batch statistics) ---
    mean = jnp.mean(out, axis=0)
    var = jnp.var(out, axis=0)
    out = (out - mean) * jax.lax.rsqrt(var + EPS) * gamma + beta
    # --- ReLU (dropout_rate=0.0 -> identity) ---
    out = jax.nn.relu(out)
    return out

if __name__ == "__main__":
    import jax
    _d = setup_inputs()
    print(jax.jit(kernel)(*tuple(_d.values())))

</pallas_src>

<mosaic_0001>
#map = affine_map<(d0, d1) -> (0, 0, 0)>
#map1 = affine_map<(d0, d1) -> (0, 0)>
module attributes {stable_mosaic.version = 14 : i64} {
  func.func @_deg_body(%arg0: i32, %arg1: i32, %arg2: memref<32x80x125xi32, #tpu.memory_space<hbm>>, %arg3: memref<125x8xf32, #tpu.memory_space<hbm>>, %arg4: memref<640x8xf32, #tpu.memory_space<hbm>>, %arg5: memref<2x10240x8xf32, #tpu.memory_space<hbm>>, %arg6: memref<80x125xi32, #tpu.memory_space<vmem>>, %arg7: memref<125x8xf32, #tpu.memory_space<vmem>>, %arg8: memref<640x8xf32, #tpu.memory_space<vmem>>, %arg9: memref<10240x8xf32, #tpu.memory_space<vmem_shared>>) attributes {dimension_semantics = [#tpu.dimension_semantics<core_parallel>, #tpu.dimension_semantics<subcore_parallel>], iteration_bounds = array<i64: 2, 16>, scalar_prefetch = 0 : i64, scratch_operands = 4 : i64, tpu.core_type = #tpu.core_type<sc_vector_subcore>, window_params = [{transform_indices = #map}, {transform_indices = #map1}, {transform_indices = #map1}, {transform_indices = #map}]} {
    %mul3A = arith.constant 16 : i32
    %mul3A_0 = arith.muli %arg0, %mul3A : i32
    %add3A = arith.addi %mul3A_0, %arg1 : i32
    "tpu.region"() ({
      %run_scoped3A = tpu.sem_alloc : memref<!tpu.dma_semaphore, #tpu.memory_space<semaphore_mem>>
      tpu.enqueue_dma source(%arg4 : memref<640x8xf32, #tpu.memory_space<hbm>>) target(%arg8 : memref<640x8xf32, #tpu.memory_space<vmem>>) target_semaphore(%run_scoped3A : memref<!tpu.dma_semaphore, #tpu.memory_space<semaphore_mem>>)
      tpu.wait_dma2 semaphore(%run_scoped3A : memref<!tpu.dma_semaphore, #tpu.memory_space<semaphore_mem>>) src(%arg4 : memref<640x8xf32, #tpu.memory_space<hbm>>) dst(%arg8 : memref<640x8xf32, #tpu.memory_space<vmem>>)
      tpu.yield
    }) : () -> ()
    %mul3A_1 = arith.constant 640 : i32
    %mul3A_2 = arith.muli %arg1, %mul3A_1 : i32
    "tpu.region"() ({
      %run_scoped3A = tpu.sem_alloc : memref<!tpu.dma_semaphore, #tpu.memory_space<semaphore_mem>>
      %dma_start3A = arith.constant 0 : i32
      %dma_start3A_12 = tpu.memref_slice %arg9[%mul3A_2, %dma_start3A] : memref<10240x8xf32, #tpu.memory_space<vmem_shared>> -> memref<640x8xf32, #tpu.memory_space<vmem_shared>>
      %dma_start3A_13 = arith.constant 0 : i32
      %dma_start3A_14 = tpu.memref_slice %arg9[%mul3A_2, %dma_start3A_13] : memref<10240x8xf32, #tpu.memory_space<vmem_shared>> -> memref<640x8xf32, #tpu.memory_space<vmem_shared>>
      tpu.enqueue_dma source(%arg8 : memref<640x8xf32, #tpu.memory_space<vmem>>) target(%dma_start3A_14 : memref<640x8xf32, #tpu.memory_space<vmem_shared>>) target_semaphore(%run_scoped3A : memref<!tpu.dma_semaphore, #tpu.memory_space<semaphore_mem>>)
      %dma_wait3A = arith.constant 0 : i32
      %dma_wait3A_15 = tpu.memref_slice %arg9[%mul3A_2, %dma_wait3A] : memref<10240x8xf32, #tpu.memory_space<vmem_shared>> -> memref<640x8xf32, #tpu.memory_space<vmem_shared>>
      %dma_wait3A_16 = arith.constant 0 : i32
      %dma_wait3A_17 = tpu.memref_slice %arg9[%mul3A_2, %dma_wait3A_16] : memref<10240x8xf32, #tpu.memory_space<vmem_shared>> -> memref<640x8xf32, #tpu.memory_space<vmem_shared>>
      tpu.wait_dma2 semaphore(%run_scoped3A : memref<!tpu.dma_semaphore, #tpu.memory_space<semaphore_mem>>) src(%arg8 : memref<640x8xf32, #tpu.memory_space<vmem>>) dst(%dma_wait3A_17 : memref<640x8xf32, #tpu.memory_space<vmem_shared>>)
      tpu.yield
    }) : () -> ()
    "tpu.region"() ({
      %run_scoped3A = tpu.sem_alloc : memref<!tpu.dma_semaphore, #tpu.memory_space<semaphore_mem>>
      tpu.enqueue_dma source(%arg3 : memref<125x8xf32, #tpu.memory_space<hbm>>) target(%arg7 : memref<125x8xf32, #tpu.memory_space<vmem>>) target_semaphore(%run_scoped3A : memref<!tpu.dma_semaphore, #tpu.memory_space<semaphore_mem>>)
      tpu.wait_dma2 semaphore(%run_scoped3A : memref<!tpu.dma_semaphore, #tpu.memory_space<semaphore_mem>>) src(%arg3 : memref<125x8xf32, #tpu.memory_space<hbm>>) dst(%arg7 : memref<125x8xf32, #tpu.memory_space<vmem>>)
      tpu.yield
    }) : () -> ()
    "tpu.region"() ({
      %run_scoped3A = tpu.sem_alloc : memref<!tpu.dma_semaphore, #tpu.memory_space<semaphore_mem>>
      %dma_start3A = arith.constant 0 : i32
      %dma_start3A_12 = arith.constant 0 : i32
      %dma_start3A_13 = tpu.memref_slice %arg2[%add3A, %dma_start3A, %dma_start3A_12] : memref<32x80x125xi32, #tpu.memory_space<hbm>> -> memref<1x80x125xi32, #tpu.memory_space<hbm>>
      %dma_start3A_14 = tpu.memref_squeeze %dma_start3A_13 : memref<1x80x125xi32, #tpu.memory_space<hbm>> -> memref<80x125xi32, #tpu.memory_space<hbm>>
      %dma_start3A_15 = arith.constant 0 : i32
      %dma_start3A_16 = arith.constant 0 : i32
      %dma_start3A_17 = tpu.memref_slice %arg2[%add3A, %dma_start3A_15, %dma_start3A_16] : memref<32x80x125xi32, #tpu.memory_space<hbm>> -> memref<1x80x125xi32, #tpu.memory_space<hbm>>
      %dma_start3A_18 = tpu.memref_squeeze %dma_start3A_17 : memref<1x80x125xi32, #tpu.memory_space<hbm>> -> memref<80x125xi32, #tpu.memory_space<hbm>>
      tpu.enqueue_dma source(%dma_start3A_18 : memref<80x125xi32, #tpu.memory_space<hbm>>) target(%arg6 : memref<80x125xi32, #tpu.memory_space<vmem>>) target_semaphore(%run_scoped3A : memref<!tpu.dma_semaphore, #tpu.memory_space<semaphore_mem>>)
      %dma_wait3A = arith.constant 0 : i32
      %dma_wait3A_19 = arith.constant 0 : i32
      %dma_wait3A_20 = tpu.memref_slice %arg2[%add3A, %dma_wait3A, %dma_wait3A_19] : memref<32x80x125xi32, #tpu.memory_space<hbm>> -> memref<1x80x125xi32, #tpu.memory_space<hbm>>
      %dma_wait3A_21 = tpu.memref_squeeze %dma_wait3A_20 : memref<1x80x125xi32, #tpu.memory_space<hbm>> -> memref<80x125xi32, #tpu.memory_space<hbm>>
      %dma_wait3A_22 = arith.constant 0 : i32
      %dma_wait3A_23 = arith.constant 0 : i32
      %dma_wait3A_24 = tpu.memref_slice %arg2[%add3A, %dma_wait3A_22, %dma_wait3A_23] : memref<32x80x125xi32, #tpu.memory_space<hbm>> -> memref<1x80x125xi32, #tpu.memory_space<hbm>>
      %dma_wait3A_25 = tpu.memref_squeeze %dma_wait3A_24 : memref<1x80x125xi32, #tpu.memory_space<hbm>> -> memref<80x125xi32, #tpu.memory_space<hbm>>
      tpu.wait_dma2 semaphore(%run_scoped3A : memref<!tpu.dma_semaphore, #tpu.memory_space<semaphore_mem>>) src(%dma_wait3A_25 : memref<80x125xi32, #tpu.memory_space<hbm>>) dst(%arg6 : memref<80x125xi32, #tpu.memory_space<vmem>>)
      tpu.yield
    }) : () -> ()
    %barrier3A = arith.constant 0 : index
    tpu.barrier barrier_id(%barrier3A)
    %scan3A = arith.constant 0 : i32
    %scan3A_3 = arith.constant 80 : i32
    %scan3A_4 = arith.addi %scan3A, %scan3A_3 : i32
    %scan3A_5 = arith.constant 1 : i32
    scf.for %scan3A_12 = %scan3A to %scan3A_4 step %scan3A_5  : i32 {
      %mul3A_13 = arith.constant 1 : i32
      %mul3A_14 = arith.muli %scan3A_12, %mul3A_13 : i32
      %add3A_15 = arith.constant 0 : i32
      %add3A_16 = arith.addi %add3A_15, %mul3A_14 : i32
      "tpu.region"() ({
        %run_scoped3A = tpu.sem_alloc : memref<!tpu.dma_semaphore, #tpu.memory_space<semaphore_mem>>
        %dma_start3A = arith.constant 0 : i32
        %dma_start3A_17 = tpu.memref_slice %arg6[%add3A_16, %dma_start3A] : memref<80x125xi32, #tpu.memory_space<vmem>> -> memref<1x125xi32, #tpu.memory_space<vmem>>
        %dma_start3A_18 = tpu.memref_squeeze %dma_start3A_17 : memref<1x125xi32, #tpu.memory_space<vmem>> -> memref<125xi32, #tpu.memory_space<vmem>>
        %dma_start3A_19 = arith.constant 0 : i32
        %dma_start3A_20 = arith.constant 0 : i32
        %dma_start3A_21 = tpu.memref_slice %arg9[%dma_start3A_19, %dma_start3A_20] : memref<10240x8xf32, #tpu.memory_space<vmem_shared>> -> memref<10240x8xf32, #tpu.memory_space<vmem_shared>>
        tpu.enqueue_indirect_dma source(%arg7 : memref<125x8xf32, #tpu.memory_space<vmem>>) target(%dma_start3A_21 : memref<10240x8xf32, #tpu.memory_space<vmem_shared>>) offsets(%dma_start3A_18 : memref<125xi32, #tpu.memory_space<vmem>>) semaphore(%run_scoped3A : memref<!tpu.dma_semaphore, #tpu.memory_space<semaphore_mem>>) {add = true}
        %dma_wait3A = arith.constant 0 : i32
        %dma_wait3A_22 = tpu.memref_slice %arg6[%add3A_16, %dma_wait3A] : memref<80x125xi32, #tpu.memory_space<vmem>> -> memref<1x125xi32, #tpu.memory_space<vmem>>
        %dma_wait3A_23 = tpu.memref_squeeze %dma_wait3A_22 : memref<1x125xi32, #tpu.memory_space<vmem>> -> memref<125xi32, #tpu.memory_space<vmem>>
        %dma_wait3A_24 = arith.constant 0 : i32
        %dma_wait3A_25 = arith.constant 0 : i32
        %dma_wait3A_26 = tpu.memref_slice %arg9[%dma_wait3A_24, %dma_wait3A_25] : memref<10240x8xf32, #tpu.memory_space<vmem_shared>> -> memref<10240x8xf32, #tpu.memory_space<vmem_shared>>
        tpu.wait_indirect_dma semaphore(%run_scoped3A : memref<!tpu.dma_semaphore, #tpu.memory_space<semaphore_mem>>) src(%arg7 : memref<125x8xf32, #tpu.memory_space<vmem>>) dst(%dma_wait3A_26 : memref<10240x8xf32, #tpu.memory_space<vmem_shared>>)
        tpu.yield
      }) : () -> ()
    }
    %scan3A_6 = arith.constant 80 : i32
    %barrier3A_7 = arith.constant 0 : index
    tpu.barrier barrier_id(%barrier3A_7)
    %mul3A_8 = arith.constant 640 : i32
    %mul3A_9 = arith.muli %arg1, %mul3A_8 : i32
    "tpu.region"() ({
      %run_scoped3A = tpu.sem_alloc : memref<!tpu.dma_semaphore, #tpu.memory_space<semaphore_mem>>
      %dma_start3A = arith.constant 0 : i32
      %dma_start3A_12 = tpu.memref_slice %arg9[%mul3A_9, %dma_start3A] : memref<10240x8xf32, #tpu.memory_space<vmem_shared>> -> memref<640x8xf32, #tpu.memory_space<vmem_shared>>
      %dma_start3A_13 = arith.constant 0 : i32
      %dma_start3A_14 = tpu.memref_slice %arg9[%mul3A_9, %dma_start3A_13] : memref<10240x8xf32, #tpu.memory_space<vmem_shared>> -> memref<640x8xf32, #tpu.memory_space<vmem_shared>>
      tpu.enqueue_dma source(%dma_start3A_14 : memref<640x8xf32, #tpu.memory_space<vmem_shared>>) target(%arg8 : memref<640x8xf32, #tpu.memory_space<vmem>>) target_semaphore(%run_scoped3A : memref<!tpu.dma_semaphore, #tpu.memory_space<semaphore_mem>>)
      %dma_wait3A = arith.constant 0 : i32
      %dma_wait3A_15 = tpu.memref_slice %arg9[%mul3A_9, %dma_wait3A] : memref<10240x8xf32, #tpu.memory_space<vmem_shared>> -> memref<640x8xf32, #tpu.memory_space<vmem_shared>>
      %dma_wait3A_16 = arith.constant 0 : i32
      %dma_wait3A_17 = tpu.memref_slice %arg9[%mul3A_9, %dma_wait3A_16] : memref<10240x8xf32, #tpu.memory_space<vmem_shared>> -> memref<640x8xf32, #tpu.memory_space<vmem_shared>>
      tpu.wait_dma2 semaphore(%run_scoped3A : memref<!tpu.dma_semaphore, #tpu.memory_space<semaphore_mem>>) src(%dma_wait3A_17 : memref<640x8xf32, #tpu.memory_space<vmem_shared>>) dst(%arg8 : memref<640x8xf32, #tpu.memory_space<vmem>>)
      tpu.yield
    }) : () -> ()
    %mul3A_10 = arith.constant 640 : i32
    %mul3A_11 = arith.muli %arg1, %mul3A_10 : i32
    "tpu.region"() ({
      %run_scoped3A = tpu.sem_alloc : memref<!tpu.dma_semaphore, #tpu.memory_space<semaphore_mem>>
      %dma_start3A = arith.constant 0 : i32
      %dma_start3A_12 = tpu.memref_slice %arg5[%arg0, %mul3A_11, %dma_start3A] : memref<2x10240x8xf32, #tpu.memory_space<hbm>> -> memref<1x640x8xf32, #tpu.memory_space<hbm>>
      %dma_start3A_13 = tpu.memref_squeeze %dma_start3A_12 : memref<1x640x8xf32, #tpu.memory_space<hbm>> -> memref<640x8xf32, #tpu.memory_space<hbm>>
      %dma_start3A_14 = arith.constant 0 : i32
      %dma_start3A_15 = tpu.memref_slice %arg5[%arg0, %mul3A_11, %dma_start3A_14] : memref<2x10240x8xf32, #tpu.memory_space<hbm>> -> memref<1x640x8xf32, #tpu.memory_space<hbm>>
      %dma_start3A_16 = tpu.memref_squeeze %dma_start3A_15 : memref<1x640x8xf32, #tpu.memory_space<hbm>> -> memref<640x8xf32, #tpu.memory_space<hbm>>
      tpu.enqueue_dma source(%arg8 : memref<640x8xf32, #tpu.memory_space<vmem>>) target(%dma_start3A_16 : memref<640x8xf32, #tpu.memory_space<hbm>>) target_semaphore(%run_scoped3A : memref<!tpu.dma_semaphore, #tpu.memory_space<semaphore_mem>>)
      %dma_wait3A = arith.constant 0 : i32
      %dma_wait3A_17 = tpu.memref_slice %arg5[%arg0, %mul3A_11, %dma_wait3A] : memref<2x10240x8xf32, #tpu.memory_space<hbm>> -> memref<1x640x8xf32, #tpu.memory_space<hbm>>
      %dma_wait3A_18 = tpu.memref_squeeze %dma_wait3A_17 : memref<1x640x8xf32, #tpu.memory_space<hbm>> -> memref<640x8xf32, #tpu.memory_space<hbm>>
      %dma_wait3A_19 = arith.constant 0 : i32
      %dma_wait3A_20 = tpu.memref_slice %arg5[%arg0, %mul3A_11, %dma_wait3A_19] : memref<2x10240x8xf32, #tpu.memory_space<hbm>> -> memref<1x640x8xf32, #tpu.memory_space<hbm>>
      %dma_wait3A_21 = tpu.memref_squeeze %dma_wait3A_20 : memref<1x640x8xf32, #tpu.memory_space<hbm>> -> memref<640x8xf32, #tpu.memory_space<hbm>>
      tpu.wait_dma2 semaphore(%run_scoped3A : memref<!tpu.dma_semaphore, #tpu.memory_space<semaphore_mem>>) src(%arg8 : memref<640x8xf32, #tpu.memory_space<vmem>>) dst(%dma_wait3A_21 : memref<640x8xf32, #tpu.memory_space<hbm>>)
      tpu.yield
    }) : () -> ()
    return
  }
}

#map = affine_map<(d0, d1) -> (0, 0)>
#map1 = affine_map<(d0, d1) -> (0, 0, 0)>
module attributes {stable_mosaic.version = 14 : i64} {
  func.func @_edge_body(%arg0: i32, %arg1: i32, %arg2: memref<10000x128xf32, #tpu.memory_space<hbm>>, %arg3: memref<32x80x125xi32, #tpu.memory_space<hbm>>, %arg4: memref<32x80x125xi32, #tpu.memory_space<hbm>>, %arg5: memref<120x128xf32, #tpu.memory_space<hbm>>, %arg6: memref<2x10240x128xf32, #tpu.memory_space<hbm>>, %arg7: memref<40x125xi32, #tpu.memory_space<vmem>>, %arg8: memref<40x125xi32, #tpu.memory_space<vmem>>, %arg9: memref<125x128xf32, #tpu.memory_space<vmem>>, %arg10: memref<125x128xf32, #tpu.memory_space<vmem>>, %arg11: memref<10240x128xf32, #tpu.memory_space<vmem_shared>>, %arg12: memref<!tpu.dma_semaphore, #tpu.memory_space<semaphore_mem>>, %arg13: memref<!tpu.dma_semaphore, #tpu.memory_space<semaphore_mem>>) attributes {dimension_semantics = [#tpu.dimension_semantics<core_parallel>, #tpu.dimension_semantics<subcore_parallel>], iteration_bounds = array<i64: 2, 16>, scalar_prefetch = 0 : i64, scratch_operands = 7 : i64, tpu.core_type = #tpu.core_type<sc_vector_subcore>, window_params = [{transform_indices = #map}, {transform_indices = #map1}, {transform_indices = #map1}, {transform_indices = #map}, {transform_indices = #map1}]} {
    %mul3A = arith.constant 16 : i32
    %mul3A_0 = arith.muli %arg0, %mul3A : i32
    %add3A = arith.addi %mul3A_0, %arg1 : i32
    "tpu.region"() ({
      %run_scoped3A = tpu.sem_alloc : memref<!tpu.dma_semaphore, #tpu.memory_space<semaphore_mem>>
      %dma_start3A_62 = arith.constant 0 : i32
      %dma_start3A_63 = arith.constant 0 : i32
      %dma_start3A_64 = tpu.memref_slice %arg9[%dma_start3A_62, %dma_start3A_63] : memref<125x128xf32, #tpu.memory_space<vmem>> -> memref<120x128xf32, #tpu.memory_space<vmem>>
      %dma_start3A_65 = arith.constant 0 : i32
      %dma_start3A_66 = arith.constant 0 : i32
      %dma_start3A_67 = tpu.memref_slice %arg9[%dma_start3A_65, %dma_start3A_66] : memref<125x128xf32, #tpu.memory_space<vmem>> -> memref<120x128xf32, #tpu.memory_space<vmem>>
      tpu.enqueue_dma source(%arg5 : memref<120x128xf32, #tpu.memory_space<hbm>>) target(%dma_start3A_67 : memref<120x128xf32, #tpu.memory_space<vmem>>) target_semaphore(%run_scoped3A : memref<!tpu.dma_semaphore, #tpu.memory_space<semaphore_mem>>)
      %dma_wait3A = arith.constant 0 : i32
      %dma_wait3A_68 = arith.constant 0 : i32
      %dma_wait3A_69 = tpu.memref_slice %arg9[%dma_wait3A, %dma_wait3A_68] : memref<125x128xf32, #tpu.memory_space<vmem>> -> memref<120x128xf32, #tpu.memory_space<vmem>>
      %dma_wait3A_70 = arith.constant 0 : i32
      %dma_wait3A_71 = arith.constant 0 : i32
      %dma_wait3A_72 = tpu.memref_slice %arg9[%dma_wait3A_70, %dma_wait3A_71] : memref<125x128xf32, #tpu.memory_space<vmem>> -> memref<120x128xf32, #tpu.memory_space<vmem>>
      tpu.wait_dma2 semaphore(%run_scoped3A : memref<!tpu.dma_semaphore, #tpu.memory_space<semaphore_mem>>) src(%arg5 : memref<120x128xf32, #tpu.memory_space<hbm>>) dst(%dma_wait3A_72 : memref<120x128xf32, #tpu.memory_space<vmem>>)
      tpu.yield
    }) : () -> ()
    %mul3A_1 = arith.constant 640 : i32
    %mul3A_2 = arith.muli %arg1, %mul3A_1 : i32
    %add3A_3 = arith.constant 0 : i32
    %add3A_4 = arith.addi %mul3A_2, %add3A_3 : i32
    "tpu.region"() ({
      %run_scoped3A = tpu.sem_alloc : memref<!tpu.dma_semaphore, #tpu.memory_space<semaphore_mem>>
      %dma_start3A_62 = arith.constant 0 : i32
      %dma_start3A_63 = arith.constant 0 : i32
      %dma_start3A_64 = tpu.memref_slice %arg9[%dma_start3A_62, %dma_start3A_63] : memref<125x128xf32, #tpu.memory_space<vmem>> -> memref<120x128xf32, #tpu.memory_space<vmem>>
      %dma_start3A_65 = arith.constant 0 : i32
      %dma_start3A_66 = tpu.memref_slice %arg11[%add3A_4, %dma_start3A_65] : memref<10240x128xf32, #tpu.memory_space<vmem_shared>> -> memref<120x128xf32, #tpu.memory_space<vmem_shared>>
      %dma_start3A_67 = arith.constant 0 : i32
      %dma_start3A_68 = tpu.memref_slice %arg11[%add3A_4, %dma_start3A_67] : memref<10240x128xf32, #tpu.memory_space<vmem_shared>> -> memref<120x128xf32, #tpu.memory_space<vmem_shared>>
      %dma_start3A_69 = arith.constant 0 : i32
      %dma_start3A_70 = arith.constant 0 : i32
      %dma_start3A_71 = tpu.memref_slice %arg9[%dma_start3A_69, %dma_start3A_70] : memref<125x128xf32, #tpu.memory_space<vmem>> -> memref<120x128xf32, #tpu.memory_space<vmem>>
      tpu.enqueue_dma source(%dma_start3A_71 : memref<120x128xf32, #tpu.memory_space<vmem>>) target(%dma_start3A_68 : memref<120x128xf32, #tpu.memory_space<vmem_shared>>) target_semaphore(%run_scoped3A : memref<!tpu.dma_semaphore, #tpu.memory_space<semaphore_mem>>)
      %dma_wait3A = arith.constant 0 : i32
      %dma_wait3A_72 = arith.constant 0 : i32
      %dma_wait3A_73 = tpu.memref_slice %arg9[%dma_wait3A, %dma_wait3A_72] : memref<125x128xf32, #tpu.memory_space<vmem>> -> memref<120x128xf32, #tpu.memory_space<vmem>>
      %dma_wait3A_74 = arith.constant 0 : i32
      %dma_wait3A_75 = tpu.memref_slice %arg11[%add3A_4, %dma_wait3A_74] : memref<10240x128xf32, #tpu.memory_space<vmem_shared>> -> memref<120x128xf32, #tpu.memory_space<vmem_shared>>
      %dma_wait3A_76 = arith.constant 0 : i32
      %dma_wait3A_77 = tpu.memref_slice %arg11[%add3A_4, %dma_wait3A_76] : memref<10240x128xf32, #tpu.memory_space<vmem_shared>> -> memref<120x128xf32, #tpu.memory_space<vmem_shared>>
      %dma_wait3A_78 = arith.constant 0 : i32
      %dma_wait3A_79 = arith.constant 0 : i32
      %dma_wait3A_80 = tpu.memref_slice %arg9[%dma_wait3A_78, %dma_wait3A_79] : memref<125x128xf32, #tpu.memory_space<vmem>> -> memref<120x128xf32, #tpu.memory_space<vmem>>
      tpu.wait_dma2 semaphore(%run_scoped3A : memref<!tpu.dma_semaphore, #tpu.memory_space<semaphore_mem>>) src(%dma_wait3A_80 : memref<120x128xf32, #tpu.memory_space<vmem>>) dst(%dma_wait3A_77 : memref<120x128xf32, #tpu.memory_space<vmem_shared>>)
      tpu.yield
    }) : () -> ()
    %add3A_5 = arith.constant 120 : i32
    %add3A_6 = arith.addi %mul3A_2, %add3A_5 : i32
    "tpu.region"() ({
      %run_scoped3A = tpu.sem_alloc : memref<!tpu.dma_semaphore, #tpu.memory_space<semaphore_mem>>
      %dma_start3A_62 = arith.constant 0 : i32
      %dma_start3A_63 = arith.constant 0 : i32
      %dma_start3A_64 = tpu.memref_slice %arg9[%dma_start3A_62, %dma_start3A_63] : memref<125x128xf32, #tpu.memory_space<vmem>> -> memref<120x128xf32, #tpu.memory_space<vmem>>
      %dma_start3A_65 = arith.constant 0 : i32
      %dma_start3A_66 = tpu.memref_slice %arg11[%add3A_6, %dma_start3A_65] : memref<10240x128xf32, #tpu.memory_space<vmem_shared>> -> memref<120x128xf32, #tpu.memory_space<vmem_shared>>
      %dma_start3A_67 = arith.constant 0 : i32
      %dma_start3A_68 = tpu.memref_slice %arg11[%add3A_6, %dma_start3A_67] : memref<10240x128xf32, #tpu.memory_space<vmem_shared>> -> memref<120x128xf32, #tpu.memory_space<vmem_shared>>
      %dma_start3A_69 = arith.constant 0 : i32
      %dma_start3A_70 = arith.constant 0 : i32
      %dma_start3A_71 = tpu.memref_slice %arg9[%dma_start3A_69, %dma_start3A_70] : memref<125x128xf32, #tpu.memory_space<vmem>> -> memref<120x128xf32, #tpu.memory_space<vmem>>
      tpu.enqueue_dma source(%dma_start3A_71 : memref<120x128xf32, #tpu.memory_space<vmem>>) target(%dma_start3A_68 : memref<120x128xf32, #tpu.memory_space<vmem_shared>>) target_semaphore(%run_scoped3A : memref<!tpu.dma_semaphore, #tpu.memory_space<semaphore_mem>>)
      %dma_wait3A = arith.constant 0 : i32
      %dma_wait3A_72 = arith.constant 0 : i32
      %dma_wait3A_73 = tpu.memref_slice %arg9[%dma_wait3A, %dma_wait3A_72] : memref<125x128xf32, #tpu.memory_space<vmem>> -> memref<120x128xf32, #tpu.memory_space<vmem>>
      %dma_wait3A_74 = arith.constant 0 : i32
      %dma_wait3A_75 = tpu.memref_slice %arg11[%add3A_6, %dma_wait3A_74] : memref<10240x128xf32, #tpu.memory_space<vmem_shared>> -> memref<120x128xf32, #tpu.memory_space<vmem_shared>>
      %dma_wait3A_76 = arith.constant 0 : i32
      %dma_wait3A_77 = tpu.memref_slice %arg11[%add3A_6, %dma_wait3A_76] : memref<10240x128xf32, #tpu.memory_space<vmem_shared>> -> memref<120x128xf32, #tpu.memory_space<vmem_shared>>
      %dma_wait3A_78 = arith.constant 0 : i32
      %dma_wait3A_79 = arith.constant 0 : i32
      %dma_wait3A_80 = tpu.memref_slice %arg9[%dma_wait3A_78, %dma_wait3A_79] : memref<125x128xf32, #tpu.memory_space<vmem>> -> memref<120x128xf32, #tpu.memory_space<vmem>>
      tpu.wait_dma2 semaphore(%run_scoped3A : memref<!tpu.dma_semaphore, #tpu.memory_space<semaphore_mem>>) src(%dma_wait3A_80 : memref<120x128xf32, #tpu.memory_space<vmem>>) dst(%dma_wait3A_77 : memref<120x128xf32, #tpu.memory_space<vmem_shared>>)
      tpu.yield
    }) : () -> ()
    %add3A_7 = arith.constant 240 : i32
    %add3A_8 = arith.addi %mul3A_2, %add3A_7 : i32
    "tpu.region"() ({
      %run_scoped3A = tpu.sem_alloc : memref<!tpu.dma_semaphore, #tpu.memory_space<semaphore_mem>>
      %dma_start3A_62 = arith.constant 0 : i32
      %dma_start3A_63 = arith.constant 0 : i32
      %dma_start3A_64 = tpu.memref_slice %arg9[%dma_start3A_62, %dma_start3A_63] : memref<125x128xf32, #tpu.memory_space<vmem>> -> memref<120x128xf32, #tpu.memory_space<vmem>>
      %dma_start3A_65 = arith.constant 0 : i32
      %dma_start3A_66 = tpu.memref_slice %arg11[%add3A_8, %dma_start3A_65] : memref<10240x128xf32, #tpu.memory_space<vmem_shared>> -> memref<120x128xf32, #tpu.memory_space<vmem_shared>>
      %dma_start3A_67 = arith.constant 0 : i32
      %dma_start3A_68 = tpu.memref_slice %arg11[%add3A_8, %dma_start3A_67] : memref<10240x128xf32, #tpu.memory_space<vmem_shared>> -> memref<120x128xf32, #tpu.memory_space<vmem_shared>>
      %dma_start3A_69 = arith.constant 0 : i32
      %dma_start3A_70 = arith.constant 0 : i32
      %dma_start3A_71 = tpu.memref_slice %arg9[%dma_start3A_69, %dma_start3A_70] : memref<125x128xf32, #tpu.memory_space<vmem>> -> memref<120x128xf32, #tpu.memory_space<vmem>>
      tpu.enqueue_dma source(%dma_start3A_71 : memref<120x128xf32, #tpu.memory_space<vmem>>) target(%dma_start3A_68 : memref<120x128xf32, #tpu.memory_space<vmem_shared>>) target_semaphore(%run_scoped3A : memref<!tpu.dma_semaphore, #tpu.memory_space<semaphore_mem>>)
      %dma_wait3A = arith.constant 0 : i32
      %dma_wait3A_72 = arith.constant 0 : i32
      %dma_wait3A_73 = tpu.memref_slice %arg9[%dma_wait3A, %dma_wait3A_72] : memref<125x128xf32, #tpu.memory_space<vmem>> -> memref<120x128xf32, #tpu.memory_space<vmem>>
      %dma_wait3A_74 = arith.constant 0 : i32
      %dma_wait3A_75 = tpu.memref_slice %arg11[%add3A_8, %dma_wait3A_74] : memref<10240x128xf32, #tpu.memory_space<vmem_shared>> -> memref<120x128xf32, #tpu.memory_space<vmem_shared>>
      %dma_wait3A_76 = arith.constant 0 : i32
      %dma_wait3A_77 = tpu.memref_slice %arg11[%add3A_8, %dma_wait3A_76] : memref<10240x128xf32, #tpu.memory_space<vmem_shared>> -> memref<120x128xf32, #tpu.memory_space<vmem_shared>>
      %dma_wait3A_78 = arith.constant 0 : i32
      %dma_wait3A_79 = arith.constant 0 : i32
      %dma_wait3A_80 = tpu.memref_slice %arg9[%dma_wait3A_78, %dma_wait3A_79] : memref<125x128xf32, #tpu.memory_space<vmem>> -> memref<120x128xf32, #tpu.memory_space<vmem>>
      tpu.wait_dma2 semaphore(%run_scoped3A : memref<!tpu.dma_semaphore, #tpu.memory_space<semaphore_mem>>) src(%dma_wait3A_80 : memref<120x128xf32, #tpu.memory_space<vmem>>) dst(%dma_wait3A_77 : memref<120x128xf32, #tpu.memory_space<vmem_shared>>)
      tpu.yield
    }) : () -> ()
    %add3A_9 = arith.constant 360 : i32
    %add3A_10 = arith.addi %mul3A_2, %add3A_9 : i32
    "tpu.region"() ({
      %run_scoped3A = tpu.sem_alloc : memref<!tpu.dma_semaphore, #tpu.memory_space<semaphore_mem>>
      %dma_start3A_62 = arith.constant 0 : i32
      %dma_start3A_63 = arith.constant 0 : i32
      %dma_start3A_64 = tpu.memref_slice %arg9[%dma_start3A_62, %dma_start3A_63] : memref<125x128xf32, #tpu.memory_space<vmem>> -> memref<120x128xf32, #tpu.memory_space<vmem>>
      %dma_start3A_65 = arith.constant 0 : i32
      %dma_start3A_66 = tpu.memref_slice %arg11[%add3A_10, %dma_start3A_65] : memref<10240x128xf32, #tpu.memory_space<vmem_shared>> -> memref<120x128xf32, #tpu.memory_space<vmem_shared>>
      %dma_start3A_67 = arith.constant 0 : i32
      %dma_start3A_68 = tpu.memref_slice %arg11[%add3A_10, %dma_start3A_67] : memref<10240x128xf32, #tpu.memory_space<vmem_shared>> -> memref<120x128xf32, #tpu.memory_space<vmem_shared>>
      %dma_start3A_69 = arith.constant 0 : i32
      %dma_start3A_70 = arith.constant 0 : i32
      %dma_start3A_71 = tpu.memref_slice %arg9[%dma_start3A_69, %dma_start3A_70] : memref<125x128xf32, #tpu.memory_space<vmem>> -> memref<120x128xf32, #tpu.memory_space<vmem>>
      tpu.enqueue_dma source(%dma_start3A_71 : memref<120x128xf32, #tpu.memory_space<vmem>>) target(%dma_start3A_68 : memref<120x128xf32, #tpu.memory_space<vmem_shared>>) target_semaphore(%run_scoped3A : memref<!tpu.dma_semaphore, #tpu.memory_space<semaphore_mem>>)
      %dma_wait3A = arith.constant 0 : i32
      %dma_wait3A_72 = arith.constant 0 : i32
      %dma_wait3A_73 = tpu.memref_slice %arg9[%dma_wait3A, %dma_wait3A_72] : memref<125x128xf32, #tpu.memory_space<vmem>> -> memref<120x128xf32, #tpu.memory_space<vmem>>
      %dma_wait3A_74 = arith.constant 0 : i32
      %dma_wait3A_75 = tpu.memref_slice %arg11[%add3A_10, %dma_wait3A_74] : memref<10240x128xf32, #tpu.memory_space<vmem_shared>> -> memref<120x128xf32, #tpu.memory_space<vmem_shared>>
      %dma_wait3A_76 = arith.constant 0 : i32
      %dma_wait3A_77 = tpu.memref_slice %arg11[%add3A_10, %dma_wait3A_76] : memref<10240x128xf32, #tpu.memory_space<vmem_shared>> -> memref<120x128xf32, #tpu.memory_space<vmem_shared>>
      %dma_wait3A_78 = arith.constant 0 : i32
      %dma_wait3A_79 = arith.constant 0 : i32
      %dma_wait3A_80 = tpu.memref_slice %arg9[%dma_wait3A_78, %dma_wait3A_79] : memref<125x128xf32, #tpu.memory_space<vmem>> -> memref<120x128xf32, #tpu.memory_space<vmem>>
      tpu.wait_dma2 semaphore(%run_scoped3A : memref<!tpu.dma_semaphore, #tpu.memory_space<semaphore_mem>>) src(%dma_wait3A_80 : memref<120x128xf32, #tpu.memory_space<vmem>>) dst(%dma_wait3A_77 : memref<120x128xf32, #tpu.memory_space<vmem_shared>>)
      tpu.yield
    }) : () -> ()
    %add3A_11 = arith.constant 480 : i32
    %add3A_12 = arith.addi %mul3A_2, %add3A_11 : i32
    "tpu.region"() ({
      %run_scoped3A = tpu.sem_alloc : memref<!tpu.dma_semaphore, #tpu.memory_space<semaphore_mem>>
      %dma_start3A_62 = arith.constant 0 : i32
      %dma_start3A_63 = arith.constant 0 : i32
      %dma_start3A_64 = tpu.memref_slice %arg9[%dma_start3A_62, %dma_start3A_63] : memref<125x128xf32, #tpu.memory_space<vmem>> -> memref<120x128xf32, #tpu.memory_space<vmem>>
      %dma_start3A_65 = arith.constant 0 : i32
      %dma_start3A_66 = tpu.memref_slice %arg11[%add3A_12, %dma_start3A_65] : memref<10240x128xf32, #tpu.memory_space<vmem_shared>> -> memref<120x128xf32, #tpu.memory_space<vmem_shared>>
      %dma_start3A_67 = arith.constant 0 : i32
      %dma_start3A_68 = tpu.memref_slice %arg11[%add3A_12, %dma_start3A_67] : memref<10240x128xf32, #tpu.memory_space<vmem_shared>> -> memref<120x128xf32, #tpu.memory_space<vmem_shared>>
      %dma_start3A_69 = arith.constant 0 : i32
      %dma_start3A_70 = arith.constant 0 : i32
      %dma_start3A_71 = tpu.memref_slice %arg9[%dma_start3A_69, %dma_start3A_70] : memref<125x128xf32, #tpu.memory_space<vmem>> -> memref<120x128xf32, #tpu.memory_space<vmem>>
      tpu.enqueue_dma source(%dma_start3A_71 : memref<120x128xf32, #tpu.memory_space<vmem>>) target(%dma_start3A_68 : memref<120x128xf32, #tpu.memory_space<vmem_shared>>) target_semaphore(%run_scoped3A : memref<!tpu.dma_semaphore, #tpu.memory_space<semaphore_mem>>)
      %dma_wait3A = arith.constant 0 : i32
      %dma_wait3A_72 = arith.constant 0 : i32
      %dma_wait3A_73 = tpu.memref_slice %arg9[%dma_wait3A, %dma_wait3A_72] : memref<125x128xf32, #tpu.memory_space<vmem>> -> memref<120x128xf32, #tpu.memory_space<vmem>>
      %dma_wait3A_74 = arith.constant 0 : i32
      %dma_wait3A_75 = tpu.memref_slice %arg11[%add3A_12, %dma_wait3A_74] : memref<10240x128xf32, #tpu.memory_space<vmem_shared>> -> memref<120x128xf32, #tpu.memory_space<vmem_shared>>
      %dma_wait3A_76 = arith.constant 0 : i32
      %dma_wait3A_77 = tpu.memref_slice %arg11[%add3A_12, %dma_wait3A_76] : memref<10240x128xf32, #tpu.memory_space<vmem_shared>> -> memref<120x128xf32, #tpu.memory_space<vmem_shared>>
      %dma_wait3A_78 = arith.constant 0 : i32
      %dma_wait3A_79 = arith.constant 0 : i32
      %dma_wait3A_80 = tpu.memref_slice %arg9[%dma_wait3A_78, %dma_wait3A_79] : memref<125x128xf32, #tpu.memory_space<vmem>> -> memref<120x128xf32, #tpu.memory_space<vmem>>
      tpu.wait_dma2 semaphore(%run_scoped3A : memref<!tpu.dma_semaphore, #tpu.memory_space<semaphore_mem>>) src(%dma_wait3A_80 : memref<120x128xf32, #tpu.memory_space<vmem>>) dst(%dma_wait3A_77 : memref<120x128xf32, #tpu.memory_space<vmem_shared>>)
      tpu.yield
    }) : () -> ()
    %add3A_13 = arith.constant 600 : i32
    %add3A_14 = arith.addi %mul3A_2, %add3A_13 : i32
    "tpu.region"() ({
      %run_scoped3A = tpu.sem_alloc : memref<!tpu.dma_semaphore, #tpu.memory_space<semaphore_mem>>
      %dma_start3A_62 = arith.constant 0 : i32
      %dma_start3A_63 = arith.constant 0 : i32
      %dma_start3A_64 = tpu.memref_slice %arg9[%dma_start3A_62, %dma_start3A_63] : memref<125x128xf32, #tpu.memory_space<vmem>> -> memref<40x128xf32, #tpu.memory_space<vmem>>
      %dma_start3A_65 = arith.constant 0 : i32
      %dma_start3A_66 = tpu.memref_slice %arg11[%add3A_14, %dma_start3A_65] : memref<10240x128xf32, #tpu.memory_space<vmem_shared>> -> memref<40x128xf32, #tpu.memory_space<vmem_shared>>
      %dma_start3A_67 = arith.constant 0 : i32
      %dma_start3A_68 = tpu.memref_slice %arg11[%add3A_14, %dma_start3A_67] : memref<10240x128xf32, #tpu.memory_space<vmem_shared>> -> memref<40x128xf32, #tpu.memory_space<vmem_shared>>
      %dma_start3A_69 = arith.constant 0 : i32
      %dma_start3A_70 = arith.constant 0 : i32
      %dma_start3A_71 = tpu.memref_slice %arg9[%dma_start3A_69, %dma_start3A_70] : memref<125x128xf32, #tpu.memory_space<vmem>> -> memref<40x128xf32, #tpu.memory_space<vmem>>
      tpu.enqueue_dma source(%dma_start3A_71 : memref<40x128xf32, #tpu.memory_space<vmem>>) target(%dma_start3A_68 : memref<40x128xf32, #tpu.memory_space<vmem_shared>>) target_semaphore(%run_scoped3A : memref<!tpu.dma_semaphore, #tpu.memory_space<semaphore_mem>>)
      %dma_wait3A = arith.constant 0 : i32
      %dma_wait3A_72 = arith.constant 0 : i32
      %dma_wait3A_73 = tpu.memref_slice %arg9[%dma_wait3A, %dma_wait3A_72] : memref<125x128xf32, #tpu.memory_space<vmem>> -> memref<40x128xf32, #tpu.memory_space<vmem>>
      %dma_wait3A_74 = arith.constant 0 : i32
      %dma_wait3A_75 = tpu.memref_slice %arg11[%add3A_14, %dma_wait3A_74] : memref<10240x128xf32, #tpu.memory_space<vmem_shared>> -> memref<40x128xf32, #tpu.memory_space<vmem_shared>>
      %dma_wait3A_76 = arith.constant 0 : i32
      %dma_wait3A_77 = tpu.memref_slice %arg11[%add3A_14, %dma_wait3A_76] : memref<10240x128xf32, #tpu.memory_space<vmem_shared>> -> memref<40x128xf32, #tpu.memory_space<vmem_shared>>
      %dma_wait3A_78 = arith.constant 0 : i32
      %dma_wait3A_79 = arith.constant 0 : i32
      %dma_wait3A_80 = tpu.memref_slice %arg9[%dma_wait3A_78, %dma_wait3A_79] : memref<125x128xf32, #tpu.memory_space<vmem>> -> memref<40x128xf32, #tpu.memory_space<vmem>>
      tpu.wait_dma2 semaphore(%run_scoped3A : memref<!tpu.dma_semaphore, #tpu.memory_space<semaphore_mem>>) src(%dma_wait3A_80 : memref<40x128xf32, #tpu.memory_space<vmem>>) dst(%dma_wait3A_77 : memref<40x128xf32, #tpu.memory_space<vmem_shared>>)
      tpu.yield
    }) : () -> ()
    %barrier3A = arith.constant 0 : index
    tpu.barrier barrier_id(%barrier3A)
    "tpu.region"() ({
      %run_scoped3A = tpu.sem_alloc : memref<!tpu.dma_semaphore, #tpu.memory_space<semaphore_mem>>
      %dma_start3A_62 = arith.constant 0 : i32
      %dma_start3A_63 = arith.constant 0 : i32
      %dma_start3A_64 = tpu.memref_slice %arg3[%add3A, %dma_start3A_62, %dma_start3A_63] : memref<32x80x125xi32, #tpu.memory_space<hbm>> -> memref<1x40x125xi32, #tpu.memory_space<hbm>>
      %dma_start3A_65 = tpu.memref_squeeze %dma_start3A_64 : memref<1x40x125xi32, #tpu.memory_space<hbm>> -> memref<40x125xi32, #tpu.memory_space<hbm>>
      %dma_start3A_66 = arith.constant 0 : i32
      %dma_start3A_67 = arith.constant 0 : i32
      %dma_start3A_68 = tpu.memref_slice %arg3[%add3A, %dma_start3A_66, %dma_start3A_67] : memref<32x80x125xi32, #tpu.memory_space<hbm>> -> memref<1x40x125xi32, #tpu.memory_space<hbm>>
      %dma_start3A_69 = tpu.memref_squeeze %dma_start3A_68 : memref<1x40x125xi32, #tpu.memory_space<hbm>> -> memref<40x125xi32, #tpu.memory_space<hbm>>
      tpu.enqueue_dma source(%dma_start3A_69 : memref<40x125xi32, #tpu.memory_space<hbm>>) target(%arg7 : memref<40x125xi32, #tpu.memory_space<vmem>>) target_semaphore(%run_scoped3A : memref<!tpu.dma_semaphore, #tpu.memory_space<semaphore_mem>>)
      %dma_wait3A = arith.constant 0 : i32
      %dma_wait3A_70 = arith.constant 0 : i32
      %dma_wait3A_71 = tpu.memref_slice %arg3[%add3A, %dma_wait3A, %dma_wait3A_70] : memref<32x80x125xi32, #tpu.memory_space<hbm>> -> memref<1x40x125xi32, #tpu.memory_space<hbm>>
      %dma_wait3A_72 = tpu.memref_squeeze %dma_wait3A_71 : memref<1x40x125xi32, #tpu.memory_space<hbm>> -> memref<40x125xi32, #tpu.memory_space<hbm>>
      %dma_wait3A_73 = arith.constant 0 : i32
      %dma_wait3A_74 = arith.constant 0 : i32
      %dma_wait3A_75 = tpu.memref_slice %arg3[%add3A, %dma_wait3A_73, %dma_wait3A_74] : memref<32x80x125xi32, #tpu.memory_space<hbm>> -> memref<1x40x125xi32, #tpu.memory_space<hbm>>
      %dma_wait3A_76 = tpu.memref_squeeze %dma_wait3A_75 : memref<1x40x125xi32, #tpu.memory_space<hbm>> -> memref<40x125xi32, #tpu.memory_space<hbm>>
      tpu.wait_dma2 semaphore(%run_scoped3A : memref<!tpu.dma_semaphore, #tpu.memory_space<semaphore_mem>>) src(%dma_wait3A_76 : memref<40x125xi32, #tpu.memory_space<hbm>>) dst(%arg7 : memref<40x125xi32, #tpu.memory_space<vmem>>)
      tpu.yield
    }) : () -> ()
    "tpu.region"() ({
      %run_scoped3A = tpu.sem_alloc : memref<!tpu.dma_semaphore, #tpu.memory_space<semaphore_mem>>
      %dma_start3A_62 = arith.constant 0 : i32
      %dma_start3A_63 = arith.constant 0 : i32
      %dma_start3A_64 = tpu.memref_slice %arg4[%add3A, %dma_start3A_62, %dma_start3A_63] : memref<32x80x125xi32, #tpu.memory_space<hbm>> -> memref<1x40x125xi32, #tpu.memory_space<hbm>>
      %dma_start3A_65 = tpu.memref_squeeze %dma_start3A_64 : memref<1x40x125xi32, #tpu.memory_space<hbm>> -> memref<40x125xi32, #tpu.memory_space<hbm>>
      %dma_start3A_66 = arith.constant 0 : i32
      %dma_start3A_67 = arith.constant 0 : i32
      %dma_start3A_68 = tpu.memref_slice %arg4[%add3A, %dma_start3A_66, %dma_start3A_67] : memref<32x80x125xi32, #tpu.memory_space<hbm>> -> memref<1x40x125xi32, #tpu.memory_space<hbm>>
      %dma_start3A_69 = tpu.memref_squeeze %dma_start3A_68 : memref<1x40x125xi32, #tpu.memory_space<hbm>> -> memref<40x125xi32, #tpu.memory_space<hbm>>
      tpu.enqueue_dma source(%dma_start3A_69 : memref<40x125xi32, #tpu.memory_space<hbm>>) target(%arg8 : memref<40x125xi32, #tpu.memory_space<vmem>>) target_semaphore(%run_scoped3A : memref<!tpu.dma_semaphore, #tpu.memory_space<semaphore_mem>>)
      %dma_wait3A = arith.constant 0 : i32
      %dma_wait3A_70 = arith.constant 0 : i32
      %dma_wait3A_71 = tpu.memref_slice %arg4[%add3A, %dma_wait3A, %dma_wait3A_70] : memref<32x80x125xi32, #tpu.memory_space<hbm>> -> memref<1x40x125xi32, #tpu.memory_space<hbm>>
      %dma_wait3A_72 = tpu.memref_squeeze %dma_wait3A_71 : memref<1x40x125xi32, #tpu.memory_space<hbm>> -> memref<40x125xi32, #tpu.memory_space<hbm>>
      %dma_wait3A_73 = arith.constant 0 : i32
      %dma_wait3A_74 = arith.constant 0 : i32
      %dma_wait3A_75 = tpu.memref_slice %arg4[%add3A, %dma_wait3A_73, %dma_wait3A_74] : memref<32x80x125xi32, #tpu.memory_space<hbm>> -> memref<1x40x125xi32, #tpu.memory_space<hbm>>
      %dma_wait3A_76 = tpu.memref_squeeze %dma_wait3A_75 : memref<1x40x125xi32, #tpu.memory_space<hbm>> -> memref<40x125xi32, #tpu.memory_space<hbm>>
      tpu.wait_dma2 semaphore(%run_scoped3A : memref<!tpu.dma_semaphore, #tpu.memory_space<semaphore_mem>>) src(%dma_wait3A_76 : memref<40x125xi32, #tpu.memory_space<hbm>>) dst(%arg8 : memref<40x125xi32, #tpu.memory_space<vmem>>)
      tpu.yield
    }) : () -> ()
    %dma_start3A = arith.constant 0 : i32
    %dma_start3A_15 = arith.constant 0 : i32
    %dma_start3A_16 = tpu.memref_slice %arg7[%dma_start3A, %dma_start3A_15] : memref<40x125xi32, #tpu.memory_space<vmem>> -> memref<1x125xi32, #tpu.memory_space<vmem>>
    %dma_start3A_17 = tpu.memref_squeeze %dma_start3A_16 : memref<1x125xi32, #tpu.memory_space<vmem>> -> memref<125xi32, #tpu.memory_space<vmem>>
    %dma_start3A_18 = arith.constant 0 : i32
    %dma_start3A_19 = arith.constant 0 : i32
    %dma_start3A_20 = tpu.memref_slice %arg2[%dma_start3A_18, %dma_start3A_19] : memref<10000x128xf32, #tpu.memory_space<hbm>> -> memref<10000x128xf32, #tpu.memory_space<hbm>>
    tpu.enqueue_indirect_dma source(%dma_start3A_20 : memref<10000x128xf32, #tpu.memory_space<hbm>>) target(%arg9 : memref<125x128xf32, #tpu.memory_space<vmem>>) offsets(%dma_start3A_17 : memref<125xi32, #tpu.memory_space<vmem>>) semaphore(%arg12 : memref<!tpu.dma_semaphore, #tpu.memory_space<semaphore_mem>>)
    %scan3A = arith.constant 0 : i32
    %scan3A_21 = arith.constant 20 : i32
    %scan3A_22 = arith.addi %scan3A, %scan3A_21 : i32
    %scan3A_23 = arith.constant 1 : i32
    scf.for %scan3A_62 = %scan3A to %scan3A_22 step %scan3A_23  : i32 {
      %mul3A_63 = arith.constant 2 : i32
      %mul3A_64 = arith.muli %scan3A_62, %mul3A_63 : i32
      %add3A_65 = arith.constant 0 : i32
      %add3A_66 = arith.addi %add3A_65, %mul3A_64 : i32
      %add3A_67 = arith.constant 1 : i32
      %add3A_68 = arith.addi %add3A_66, %add3A_67 : i32
      %dma_start3A_69 = arith.constant 0 : i32
      %dma_start3A_70 = tpu.memref_slice %arg7[%add3A_68, %dma_start3A_69] : memref<40x125xi32, #tpu.memory_space<vmem>> -> memref<1x125xi32, #tpu.memory_space<vmem>>
      %dma_start3A_71 = tpu.memref_squeeze %dma_start3A_70 : memref<1x125xi32, #tpu.memory_space<vmem>> -> memref<125xi32, #tpu.memory_space<vmem>>
      %dma_start3A_72 = arith.constant 0 : i32
      %dma_start3A_73 = arith.constant 0 : i32
      %dma_start3A_74 = tpu.memref_slice %arg2[%dma_start3A_72, %dma_start3A_73] : memref<10000x128xf32, #tpu.memory_space<hbm>> -> memref<10000x128xf32, #tpu.memory_space<hbm>>
      tpu.enqueue_indirect_dma source(%dma_start3A_74 : memref<10000x128xf32, #tpu.memory_space<hbm>>) target(%arg10 : memref<125x128xf32, #tpu.memory_space<vmem>>) offsets(%dma_start3A_71 : memref<125xi32, #tpu.memory_space<vmem>>) semaphore(%arg13 : memref<!tpu.dma_semaphore, #tpu.memory_space<semaphore_mem>>)
      %dma_wait3A = arith.constant 0 : i32
      %dma_wait3A_75 = tpu.memref_slice %arg7[%add3A_66, %dma_wait3A] : memref<40x125xi32, #tpu.memory_space<vmem>> -> memref<1x125xi32, #tpu.memory_space<vmem>>
      %dma_wait3A_76 = tpu.memref_squeeze %dma_wait3A_75 : memref<1x125xi32, #tpu.memory_space<vmem>> -> memref<125xi32, #tpu.memory_space<vmem>>
      %dma_wait3A_77 = arith.constant 0 : i32
      %dma_wait3A_78 = arith.constant 0 : i32
      %dma_wait3A_79 = tpu.memref_slice %arg2[%dma_wait3A_77, %dma_wait3A_78] : memref<10000x128xf32, #tpu.memory_space<hbm>> -> memref<10000x128xf32, #tpu.memory_space<hbm>>
      tpu.wait_indirect_dma semaphore(%arg12 : memref<!tpu.dma_semaphore, #tpu.memory_space<semaphore_mem>>) src(%dma_wait3A_79 : memref<10000x128xf32, #tpu.memory_space<hbm>>) dst(%arg9 : memref<125x128xf32, #tpu.memory_space<vmem>>)
      "tpu.region"() ({
        %run_scoped3A = tpu.sem_alloc : memref<!tpu.dma_semaphore, #tpu.memory_space<semaphore_mem>>
        %dma_start3A_94 = arith.constant 0 : i32
        %dma_start3A_95 = tpu.memref_slice %arg8[%add3A_66, %dma_start3A_94] : memref<40x125xi32, #tpu.memory_space<vmem>> -> memref<1x125xi32, #tpu.memory_space<vmem>>
        %dma_start3A_96 = tpu.memref_squeeze %dma_start3A_95 : memref<1x125xi32, #tpu.memory_space<vmem>> -> memref<125xi32, #tpu.memory_space<vmem>>
        %dma_start3A_97 = arith.constant 0 : i32
        %dma_start3A_98 = arith.constant 0 : i32
        %dma_start3A_99 = tpu.memref_slice %arg11[%dma_start3A_97, %dma_start3A_98] : memref<10240x128xf32, #tpu.memory_space<vmem_shared>> -> memref<10240x128xf32, #tpu.memory_space<vmem_shared>>
        tpu.enqueue_indirect_dma source(%arg9 : memref<125x128xf32, #tpu.memory_space<vmem>>) target(%dma_start3A_99 : memref<10240x128xf32, #tpu.memory_space<vmem_shared>>) offsets(%dma_start3A_96 : memref<125xi32, #tpu.memory_space<vmem>>) semaphore(%run_scoped3A : memref<!tpu.dma_semaphore, #tpu.memory_space<semaphore_mem>>) {add = true}
        %dma_wait3A_100 = arith.constant 0 : i32
        %dma_wait3A_101 = tpu.memref_slice %arg8[%add3A_66, %dma_wait3A_100] : memref<40x125xi32, #tpu.memory_space<vmem>> -> memref<1x125xi32, #tpu.memory_space<vmem>>
        %dma_wait3A_102 = tpu.memref_squeeze %dma_wait3A_101 : memref<1x125xi32, #tpu.memory_space<vmem>> -> memref<125xi32, #tpu.memory_space<vmem>>
        %dma_wait3A_103 = arith.constant 0 : i32
        %dma_wait3A_104 = arith.constant 0 : i32
        %dma_wait3A_105 = tpu.memref_slice %arg11[%dma_wait3A_103, %dma_wait3A_104] : memref<10240x128xf32, #tpu.memory_space<vmem_shared>> -> memref<10240x128xf32, #tpu.memory_space<vmem_shared>>
        tpu.wait_indirect_dma semaphore(%run_scoped3A : memref<!tpu.dma_semaphore, #tpu.memory_space<semaphore_mem>>) src(%arg9 : memref<125x128xf32, #tpu.memory_space<vmem>>) dst(%dma_wait3A_105 : memref<10240x128xf32, #tpu.memory_space<vmem_shared>>)
        tpu.yield
      }) : () -> ()
      %add3A_80 = arith.constant 2 : i32
      %add3A_81 = arith.addi %add3A_66, %add3A_80 : i32
      %lt3A = arith.constant 40 : i32
      %lt3A_82 = arith.cmpi slt, %add3A_81, %lt3A : i32
      %convert_element_type3A = arith.extui %lt3A_82 : i1 to i32
      %cond3A = arith.constant 0 : i32
      %cond3A_83 = arith.cmpi ne, %convert_element_type3A, %cond3A : i32
      scf.if %cond3A_83 {
        %add3A_94 = arith.constant 2 : i32
        %add3A_95 = arith.addi %add3A_66, %add3A_94 : i32
        %dma_start3A_96 = arith.constant 0 : i32
        %dma_start3A_97 = tpu.memref_slice %arg7[%add3A_95, %dma_start3A_96] : memref<40x125xi32, #tpu.memory_space<vmem>> -> memref<1x125xi32, #tpu.memory_space<vmem>>
        %dma_start3A_98 = tpu.memref_squeeze %dma_start3A_97 : memref<1x125xi32, #tpu.memory_space<vmem>> -> memref<125xi32, #tpu.memory_space<vmem>>
        %dma_start3A_99 = arith.constant 0 : i32
        %dma_start3A_100 = arith.constant 0 : i32
        %dma_start3A_101 = tpu.memref_slice %arg2[%dma_start3A_99, %dma_start3A_100] : memref<10000x128xf32, #tpu.memory_space<hbm>> -> memref<10000x128xf32, #tpu.memory_space<hbm>>
        tpu.enqueue_indirect_dma source(%dma_start3A_101 : memref<10000x128xf32, #tpu.memory_space<hbm>>) target(%arg9 : memref<125x128xf32, #tpu.memory_space<vmem>>) offsets(%dma_start3A_98 : memref<125xi32, #tpu.memory_space<vmem>>) semaphore(%arg12 : memref<!tpu.dma_semaphore, #tpu.memory_space<semaphore_mem>>)
      } else {
      }
      %add3A_84 = arith.constant 1 : i32
      %add3A_85 = arith.addi %add3A_66, %add3A_84 : i32
      %dma_wait3A_86 = arith.constant 0 : i32
      %dma_wait3A_87 = tpu.memref_slice %arg7[%add3A_85, %dma_wait3A_86] : memref<40x125xi32, #tpu.memory_space<vmem>> -> memref<1x125xi32, #tpu.memory_space<vmem>>
      %dma_wait3A_88 = tpu.memref_squeeze %dma_wait3A_87 : memref<1x125xi32, #tpu.memory_space<vmem>> -> memref<125xi32, #tpu.memory_space<vmem>>
      %dma_wait3A_89 = arith.constant 0 : i32
      %dma_wait3A_90 = arith.constant 0 : i32
      %dma_wait3A_91 = tpu.memref_slice %arg2[%dma_wait3A_89, %dma_wait3A_90] : memref<10000x128xf32, #tpu.memory_space<hbm>> -> memref<10000x128xf32, #tpu.memory_space<hbm>>
      tpu.wait_indirect_dma semaphore(%arg13 : memref<!tpu.dma_semaphore, #tpu.memory_space<semaphore_mem>>) src(%dma_wait3A_91 : memref<10000x128xf32, #tpu.memory_space<hbm>>) dst(%arg10 : memref<125x128xf32, #tpu.memory_space<vmem>>)
      %add3A_92 = arith.constant 1 : i32
      %add3A_93 = arith.addi %add3A_66, %add3A_92 : i32
      "tpu.region"() ({
        %run_scoped3A = tpu.sem_alloc : memref<!tpu.dma_semaphore, #tpu.memory_space<semaphore_mem>>
        %dma_start3A_94 = arith.constant 0 : i32
        %dma_start3A_95 = tpu.memref_slice %arg8[%add3A_93, %dma_start3A_94] : memref<40x125xi32, #tpu.memory_space<vmem>> -> memref<1x125xi32, #tpu.memory_space<vmem>>
        %dma_start3A_96 = tpu.memref_squeeze %dma_start3A_95 : memref<1x125xi32, #tpu.memory_space<vmem>> -> memref<125xi32, #tpu.memory_space<vmem>>
        %dma_start3A_97 = arith.constant 0 : i32
        %dma_start3A_98 = arith.constant 0 : i32
        %dma_start3A_99 = tpu.memref_slice %arg11[%dma_start3A_97, %dma_start3A_98] : memref<10240x128xf32, #tpu.memory_space<vmem_shared>> -> memref<10240x128xf32, #tpu.memory_space<vmem_shared>>
        tpu.enqueue_indirect_dma source(%arg10 : memref<125x128xf32, #tpu.memory_space<vmem>>) target(%dma_start3A_99 : memref<10240x128xf32, #tpu.memory_space<vmem_shared>>) offsets(%dma_start3A_96 : memref<125xi32, #tpu.memory_space<vmem>>) semaphore(%run_scoped3A : memref<!tpu.dma_semaphore, #tpu.memory_space<semaphore_mem>>) {add = true}
        %dma_wait3A_100 = arith.constant 0 : i32
        %dma_wait3A_101 = tpu.memref_slice %arg8[%add3A_93, %dma_wait3A_100] : memref<40x125xi32, #tpu.memory_space<vmem>> -> memref<1x125xi32, #tpu.memory_space<vmem>>
        %dma_wait3A_102 = tpu.memref_squeeze %dma_wait3A_101 : memref<1x125xi32, #tpu.memory_space<vmem>> -> memref<125xi32, #tpu.memory_space<vmem>>
        %dma_wait3A_103 = arith.constant 0 : i32
        %dma_wait3A_104 = arith.constant 0 : i32
        %dma_wait3A_105 = tpu.memref_slice %arg11[%dma_wait3A_103, %dma_wait3A_104] : memref<10240x128xf32, #tpu.memory_space<vmem_shared>> -> memref<10240x128xf32, #tpu.memory_space<vmem_shared>>
        tpu.wait_indirect_dma semaphore(%run_scoped3A : memref<!tpu.dma_semaphore, #tpu.memory_space<semaphore_mem>>) src(%arg10 : memref<125x128xf32, #tpu.memory_space<vmem>>) dst(%dma_wait3A_105 : memref<10240x128xf32, #tpu.memory_space<vmem_shared>>)
        tpu.yield
      }) : () -> ()
    }
    %scan3A_24 = arith.constant 20 : i32
    "tpu.region"() ({
      %run_scoped3A = tpu.sem_alloc : memref<!tpu.dma_semaphore, #tpu.memory_space<semaphore_mem>>
      %dma_start3A_62 = arith.constant 40 : i32
      %dma_start3A_63 = arith.constant 0 : i32
      %dma_start3A_64 = tpu.memref_slice %arg3[%add3A, %dma_start3A_62, %dma_start3A_63] : memref<32x80x125xi32, #tpu.memory_space<hbm>> -> memref<1x40x125xi32, #tpu.memory_space<hbm>>
      %dma_start3A_65 = tpu.memref_squeeze %dma_start3A_64 : memref<1x40x125xi32, #tpu.memory_space<hbm>> -> memref<40x125xi32, #tpu.memory_space<hbm>>
      %dma_start3A_66 = arith.constant 40 : i32
      %dma_start3A_67 = arith.constant 0 : i32
      %dma_start3A_68 = tpu.memref_slice %arg3[%add3A, %dma_start3A_66, %dma_start3A_67] : memref<32x80x125xi32, #tpu.memory_space<hbm>> -> memref<1x40x125xi32, #tpu.memory_space<hbm>>
      %dma_start3A_69 = tpu.memref_squeeze %dma_start3A_68 : memref<1x40x125xi32, #tpu.memory_space<hbm>> -> memref<40x125xi32, #tpu.memory_space<hbm>>
      tpu.enqueue_dma source(%dma_start3A_69 : memref<40x125xi32, #tpu.memory_space<hbm>>) target(%arg7 : memref<40x125xi32, #tpu.memory_space<vmem>>) target_semaphore(%run_scoped3A : memref<!tpu.dma_semaphore, #tpu.memory_space<semaphore_mem>>)
      %dma_wait3A = arith.constant 40 : i32
      %dma_wait3A_70 = arith.constant 0 : i32
      %dma_wait3A_71 = tpu.memref_slice %arg3[%add3A, %dma_wait3A, %dma_wait3A_70] : memref<32x80x125xi32, #tpu.memory_space<hbm>> -> memref<1x40x125xi32, #tpu.memory_space<hbm>>
      %dma_wait3A_72 = tpu.memref_squeeze %dma_wait3A_71 : memref<1x40x125xi32, #tpu.memory_space<hbm>> -> memref<40x125xi32, #tpu.memory_space<hbm>>
      %dma_wait3A_73 = arith.constant 40 : i32
      %dma_wait3A_74 = arith.constant 0 : i32
      %dma_wait3A_75 = tpu.memref_slice %arg3[%add3A, %dma_wait3A_73, %dma_wait3A_74] : memref<32x80x125xi32, #tpu.memory_space<hbm>> -> memref<1x40x125xi32, #tpu.memory_space<hbm>>
      %dma_wait3A_76 = tpu.memref_squeeze %dma_wait3A_75 : memref<1x40x125xi32, #tpu.memory_space<hbm>> -> memref<40x125xi32, #tpu.memory_space<hbm>>
      tpu.wait_dma2 semaphore(%run_scoped3A : memref<!tpu.dma_semaphore, #tpu.memory_space<semaphore_mem>>) src(%dma_wait3A_76 : memref<40x125xi32, #tpu.memory_space<hbm>>) dst(%arg7 : memref<40x125xi32, #tpu.memory_space<vmem>>)
      tpu.yield
    }) : () -> ()
    "tpu.region"() ({
      %run_scoped3A = tpu.sem_alloc : memref<!tpu.dma_semaphore, #tpu.memory_space<semaphore_mem>>
      %dma_start3A_62 = arith.constant 40 : i32
      %dma_start3A_63 = arith.constant 0 : i32
      %dma_start3A_64 = tpu.memref_slice %arg4[%add3A, %dma_start3A_62, %dma_start3A_63] : memref<32x80x125xi32, #tpu.memory_space<hbm>> -> memref<1x40x125xi32, #tpu.memory_space<hbm>>
      %dma_start3A_65 = tpu.memref_squeeze %dma_start3A_64 : memref<1x40x125xi32, #tpu.memory_space<hbm>> -> memref<40x125xi32, #tpu.memory_space<hbm>>
      %dma_start3A_66 = arith.constant 40 : i32
      %dma_start3A_67 = arith.constant 0 : i32
      %dma_start3A_68 = tpu.memref_slice %arg4[%add3A, %dma_start3A_66, %dma_start3A_67] : memref<32x80x125xi32, #tpu.memory_space<hbm>> -> memref<1x40x125xi32, #tpu.memory_space<hbm>>
      %dma_start3A_69 = tpu.memref_squeeze %dma_start3A_68 : memref<1x40x125xi32, #tpu.memory_space<hbm>> -> memref<40x125xi32, #tpu.memory_space<hbm>>
      tpu.enqueue_dma source(%dma_start3A_69 : memref<40x125xi32, #tpu.memory_space<hbm>>) target(%arg8 : memref<40x125xi32, #tpu.memory_space<vmem>>) target_semaphore(%run_scoped3A : memref<!tpu.dma_semaphore, #tpu.memory_space<semaphore_mem>>)
      %dma_wait3A = arith.constant 40 : i32
      %dma_wait3A_70 = arith.constant 0 : i32
      %dma_wait3A_71 = tpu.memref_slice %arg4[%add3A, %dma_wait3A, %dma_wait3A_70] : memref<32x80x125xi32, #tpu.memory_space<hbm>> -> memref<1x40x125xi32, #tpu.memory_space<hbm>>
      %dma_wait3A_72 = tpu.memref_squeeze %dma_wait3A_71 : memref<1x40x125xi32, #tpu.memory_space<hbm>> -> memref<40x125xi32, #tpu.memory_space<hbm>>
      %dma_wait3A_73 = arith.constant 40 : i32
      %dma_wait3A_74 = arith.constant 0 : i32
      %dma_wait3A_75 = tpu.memref_slice %arg4[%add3A, %dma_wait3A_73, %dma_wait3A_74] : memref<32x80x125xi32, #tpu.memory_space<hbm>> -> memref<1x40x125xi32, #tpu.memory_space<hbm>>
      %dma_wait3A_76 = tpu.memref_squeeze %dma_wait3A_75 : memref<1x40x125xi32, #tpu.memory_space<hbm>> -> memref<40x125xi32, #tpu.memory_space<hbm>>
      tpu.wait_dma2 semaphore(%run_scoped3A : memref<!tpu.dma_semaphore, #tpu.memory_space<semaphore_mem>>) src(%dma_wait3A_76 : memref<40x125xi32, #tpu.memory_space<hbm>>) dst(%arg8 : memref<40x125xi32, #tpu.memory_space<vmem>>)
      tpu.yield
    }) : () -> ()
    %dma_start3A_25 = arith.constant 0 : i32
    %dma_start3A_26 = arith.constant 0 : i32
    %dma_start3A_27 = tpu.memref_slice %arg7[%dma_start3A_25, %dma_start3A_26] : memref<40x125xi32, #tpu.memory_space<vmem>> -> memref<1x125xi32, #tpu.memory_space<vmem>>
    %dma_start3A_28 = tpu.memref_squeeze %dma_start3A_27 : memref<1x125xi32, #tpu.memory_space<vmem>> -> memref<125xi32, #tpu.memory_space<vmem>>
    %dma_start3A_29 = arith.constant 0 : i32
    %dma_start3A_30 = arith.constant 0 : i32
    %dma_start3A_31 = tpu.memref_slice %arg2[%dma_start3A_29, %dma_start3A_30] : memref<10000x128xf32, #tpu.memory_space<hbm>> -> memref<10000x128xf32, #tpu.memory_space<hbm>>
    tpu.enqueue_indirect_dma source(%dma_start3A_31 : memref<10000x128xf32, #tpu.memory_space<hbm>>) target(%arg9 : memref<125x128xf32, #tpu.memory_space<vmem>>) offsets(%dma_start3A_28 : memref<125xi32, #tpu.memory_space<vmem>>) semaphore(%arg12 : memref<!tpu.dma_semaphore, #tpu.memory_space<semaphore_mem>>)
    %scan3A_32 = arith.constant 0 : i32
    %scan3A_33 = arith.constant 20 : i32
    %scan3A_34 = arith.addi %scan3A_32, %scan3A_33 : i32
    %scan3A_35 = arith.constant 1 : i32
    scf.for %scan3A_62 = %scan3A_32 to %scan3A_34 step %scan3A_35  : i32 {
      %mul3A_63 = arith.constant 2 : i32
      %mul3A_64 = arith.muli %scan3A_62, %mul3A_63 : i32
      %add3A_65 = arith.constant 0 : i32
      %add3A_66 = arith.addi %add3A_65, %mul3A_64 : i32
      %add3A_67 = arith.constant 1 : i32
      %add3A_68 = arith.addi %add3A_66, %add3A_67 : i32
      %dma_start3A_69 = arith.constant 0 : i32
      %dma_start3A_70 = tpu.memref_slice %arg7[%add3A_68, %dma_start3A_69] : memref<40x125xi32, #tpu.memory_space<vmem>> -> memref<1x125xi32, #tpu.memory_space<vmem>>
      %dma_start3A_71 = tpu.memref_squeeze %dma_start3A_70 : memref<1x125xi32, #tpu.memory_space<vmem>> -> memref<125xi32, #tpu.memory_space<vmem>>
      %dma_start3A_72 = arith.constant 0 : i32
      %dma_start3A_73 = arith.constant 0 : i32
      %dma_start3A_74 = tpu.memref_slice %arg2[%dma_start3A_72, %dma_start3A_73] : memref<10000x128xf32, #tpu.memory_space<hbm>> -> memref<10000x128xf32, #tpu.memory_space<hbm>>
      tpu.enqueue_indirect_dma source(%dma_start3A_74 : memref<10000x128xf32, #tpu.memory_space<hbm>>) target(%arg10 : memref<125x128xf32, #tpu.memory_space<vmem>>) offsets(%dma_start3A_71 : memref<125xi32, #tpu.memory_space<vmem>>) semaphore(%arg13 : memref<!tpu.dma_semaphore, #tpu.memory_space<semaphore_mem>>)
      %dma_wait3A = arith.constant 0 : i32
      %dma_wait3A_75 = tpu.memref_slice %arg7[%add3A_66, %dma_wait3A] : memref<40x125xi32, #tpu.memory_space<vmem>> -> memref<1x125xi32, #tpu.memory_space<vmem>>
      %dma_wait3A_76 = tpu.memref_squeeze %dma_wait3A_75 : memref<1x125xi32, #tpu.memory_space<vmem>> -> memref<125xi32, #tpu.memory_space<vmem>>
      %dma_wait3A_77 = arith.constant 0 : i32
      %dma_wait3A_78 = arith.constant 0 : i32
      %dma_wait3A_79 = tpu.memref_slice %arg2[%dma_wait3A_77, %dma_wait3A_78] : memref<10000x128xf32, #tpu.memory_space<hbm>> -> memref<10000x128xf32, #tpu.memory_space<hbm>>
      tpu.wait_indirect_dma semaphore(%arg12 : memref<!tpu.dma_semaphore, #tpu.memory_space<semaphore_mem>>) src(%dma_wait3A_79 : memref<10000x128xf32, #tpu.memory_space<hbm>>) dst(%arg9 : memref<125x128xf32, #tpu.memory_space<vmem>>)
      "tpu.region"() ({
        %run_scoped3A = tpu.sem_alloc : memref<!tpu.dma_semaphore, #tpu.memory_space<semaphore_mem>>
        %dma_start3A_94 = arith.constant 0 : i32
        %dma_start3A_95 = tpu.memref_slice %arg8[%add3A_66, %dma_start3A_94] : memref<40x125xi32, #tpu.memory_space<vmem>> -> memref<1x125xi32, #tpu.memory_space<vmem>>
        %dma_start3A_96 = tpu.memref_squeeze %dma_start3A_95 : memref<1x125xi32, #tpu.memory_space<vmem>> -> memref<125xi32, #tpu.memory_space<vmem>>
        %dma_start3A_97 = arith.constant 0 : i32
        %dma_start3A_98 = arith.constant 0 : i32
        %dma_start3A_99 = tpu.memref_slice %arg11[%dma_start3A_97, %dma_start3A_98] : memref<10240x128xf32, #tpu.memory_space<vmem_shared>> -> memref<10240x128xf32, #tpu.memory_space<vmem_shared>>
        tpu.enqueue_indirect_dma source(%arg9 : memref<125x128xf32, #tpu.memory_space<vmem>>) target(%dma_start3A_99 : memref<10240x128xf32, #tpu.memory_space<vmem_shared>>) offsets(%dma_start3A_96 : memref<125xi32, #tpu.memory_space<vmem>>) semaphore(%run_scoped3A : memref<!tpu.dma_semaphore, #tpu.memory_space<semaphore_mem>>) {add = true}
        %dma_wait3A_100 = arith.constant 0 : i32
        %dma_wait3A_101 = tpu.memref_slice %arg8[%add3A_66, %dma_wait3A_100] : memref<40x125xi32, #tpu.memory_space<vmem>> -> memref<1x125xi32, #tpu.memory_space<vmem>>
        %dma_wait3A_102 = tpu.memref_squeeze %dma_wait3A_101 : memref<1x125xi32, #tpu.memory_space<vmem>> -> memref<125xi32, #tpu.memory_space<vmem>>
        %dma_wait3A_103 = arith.constant 0 : i32
        %dma_wait3A_104 = arith.constant 0 : i32
        %dma_wait3A_105 = tpu.memref_slice %arg11[%dma_wait3A_103, %dma_wait3A_104] : memref<10240x128xf32, #tpu.memory_space<vmem_shared>> -> memref<10240x128xf32, #tpu.memory_space<vmem_shared>>
        tpu.wait_indirect_dma semaphore(%run_scoped3A : memref<!tpu.dma_semaphore, #tpu.memory_space<semaphore_mem>>) src(%arg9 : memref<125x128xf32, #tpu.memory_space<vmem>>) dst(%dma_wait3A_105 : memref<10240x128xf32, #tpu.memory_space<vmem_shared>>)
        tpu.yield
      }) : () -> ()
      %add3A_80 = arith.constant 2 : i32
      %add3A_81 = arith.addi %add3A_66, %add3A_80 : i32
      %lt3A = arith.constant 40 : i32
      %lt3A_82 = arith.cmpi slt, %add3A_81, %lt3A : i32
      %convert_element_type3A = arith.extui %lt3A_82 : i1 to i32
      %cond3A = arith.constant 0 : i32
      %cond3A_83 = arith.cmpi ne, %convert_element_type3A, %cond3A : i32
      scf.if %cond3A_83 {
        %add3A_94 = arith.constant 2 : i32
        %add3A_95 = arith.addi %add3A_66, %add3A_94 : i32
        %dma_start3A_96 = arith.constant 0 : i32
        %dma_start3A_97 = tpu.memref_slice %arg7[%add3A_95, %dma_start3A_96] : memref<40x125xi32, #tpu.memory_space<vmem>> -> memref<1x125xi32, #tpu.memory_space<vmem>>
        %dma_start3A_98 = tpu.memref_squeeze %dma_start3A_97 : memref<1x125xi32, #tpu.memory_space<vmem>> -> memref<125xi32, #tpu.memory_space<vmem>>
        %dma_start3A_99 = arith.constant 0 : i32
        %dma_start3A_100 = arith.constant 0 : i32
        %dma_start3A_101 = tpu.memref_slice %arg2[%dma_start3A_99, %dma_start3A_100] : memref<10000x128xf32, #tpu.memory_space<hbm>> -> memref<10000x128xf32, #tpu.memory_space<hbm>>
        tpu.enqueue_indirect_dma source(%dma_start3A_101 : memref<10000x128xf32, #tpu.memory_space<hbm>>) target(%arg9 : memref<125x128xf32, #tpu.memory_space<vmem>>) offsets(%dma_start3A_98 : memref<125xi32, #tpu.memory_space<vmem>>) semaphore(%arg12 : memref<!tpu.dma_semaphore, #tpu.memory_space<semaphore_mem>>)
      } else {
      }
      %add3A_84 = arith.constant 1 : i32
      %add3A_85 = arith.addi %add3A_66, %add3A_84 : i32
      %dma_wait3A_86 = arith.constant 0 : i32
      %dma_wait3A_87 = tpu.memref_slice %arg7[%add3A_85, %dma_wait3A_86] : memref<40x125xi32, #tpu.memory_space<vmem>> -> memref<1x125xi32, #tpu.memory_space<vmem>>
      %dma_wait3A_88 = tpu.memref_squeeze %dma_wait3A_87 : memref<1x125xi32, #tpu.memory_space<vmem>> -> memref<125xi32, #tpu.memory_space<vmem>>
      %dma_wait3A_89 = arith.constant 0 : i32
      %dma_wait3A_90 = arith.constant 0 : i32
      %dma_wait3A_91 = tpu.memref_slice %arg2[%dma_wait3A_89, %dma_wait3A_90] : memref<10000x128xf32, #tpu.memory_space<hbm>> -> memref<10000x128xf32, #tpu.memory_space<hbm>>
      tpu.wait_indirect_dma semaphore(%arg13 : memref<!tpu.dma_semaphore, #tpu.memory_space<semaphore_mem>>) src(%dma_wait3A_91 : memref<10000x128xf32, #tpu.memory_space<hbm>>) dst(%arg10 : memref<125x128xf32, #tpu.memory_space<vmem>>)
      %add3A_92 = arith.constant 1 : i32
      %add3A_93 = arith.addi %add3A_66, %add3A_92 : i32
      "tpu.region"() ({
        %run_scoped3A = tpu.sem_alloc : memref<!tpu.dma_semaphore, #tpu.memory_space<semaphore_mem>>
        %dma_start3A_94 = arith.constant 0 : i32
        %dma_start3A_95 = tpu.memref_slice %arg8[%add3A_93, %dma_start3A_94] : memref<40x125xi32, #tpu.memory_space<vmem>> -> memref<1x125xi32, #tpu.memory_space<vmem>>
        %dma_start3A_96 = tpu.memref_squeeze %dma_start3A_95 : memref<1x125xi32, #tpu.memory_space<vmem>> -> memref<125xi32, #tpu.memory_space<vmem>>
        %dma_start3A_97 = arith.constant 0 : i32
        %dma_start3A_98 = arith.constant 0 : i32
        %dma_start3A_99 = tpu.memref_slice %arg11[%dma_start3A_97, %dma_start3A_98] : memref<10240x128xf32, #tpu.memory_space<vmem_shared>> -> memref<10240x128xf32, #tpu.memory_space<vmem_shared>>
        tpu.enqueue_indirect_dma source(%arg10 : memref<125x128xf32, #tpu.memory_space<vmem>>) target(%dma_start3A_99 : memref<10240x128xf32, #tpu.memory_space<vmem_shared>>) offsets(%dma_start3A_96 : memref<125xi32, #tpu.memory_space<vmem>>) semaphore(%run_scoped3A : memref<!tpu.dma_semaphore, #tpu.memory_space<semaphore_mem>>) {add = true}
        %dma_wait3A_100 = arith.constant 0 : i32
        %dma_wait3A_101 = tpu.memref_slice %arg8[%add3A_93, %dma_wait3A_100] : memref<40x125xi32, #tpu.memory_space<vmem>> -> memref<1x125xi32, #tpu.memory_space<vmem>>
        %dma_wait3A_102 = tpu.memref_squeeze %dma_wait3A_101 : memref<1x125xi32, #tpu.memory_space<vmem>> -> memref<125xi32, #tpu.memory_space<vmem>>
        %dma_wait3A_103 = arith.constant 0 : i32
        %dma_wait3A_104 = arith.constant 0 : i32
        %dma_wait3A_105 = tpu.memref_slice %arg11[%dma_wait3A_103, %dma_wait3A_104] : memref<10240x128xf32, #tpu.memory_space<vmem_shared>> -> memref<10240x128xf32, #tpu.memory_space<vmem_shared>>
        tpu.wait_indirect_dma semaphore(%run_scoped3A : memref<!tpu.dma_semaphore, #tpu.memory_space<semaphore_mem>>) src(%arg10 : memref<125x128xf32, #tpu.memory_space<vmem>>) dst(%dma_wait3A_105 : memref<10240x128xf32, #tpu.memory_space<vmem_shared>>)
        tpu.yield
      }) : () -> ()
    }
    %scan3A_36 = arith.constant 20 : i32
    %barrier3A_37 = arith.constant 0 : index
    tpu.barrier barrier_id(%barrier3A_37)
    %add3A_38 = arith.constant 0 : i32
    %add3A_39 = arith.addi %mul3A_2, %add3A_38 : i32
    "tpu.region"() ({
      %run_scoped3A = tpu.sem_alloc : memref<!tpu.dma_semaphore, #tpu.memory_space<semaphore_mem>>
      %dma_start3A_62 = arith.constant 0 : i32
      %dma_start3A_63 = arith.constant 0 : i32
      %dma_start3A_64 = tpu.memref_slice %arg9[%dma_start3A_62, %dma_start3A_63] : memref<125x128xf32, #tpu.memory_space<vmem>> -> memref<120x128xf32, #tpu.memory_space<vmem>>
      %dma_start3A_65 = arith.constant 0 : i32
      %dma_start3A_66 = tpu.memref_slice %arg11[%add3A_39, %dma_start3A_65] : memref<10240x128xf32, #tpu.memory_space<vmem_shared>> -> memref<120x128xf32, #tpu.memory_space<vmem_shared>>
      %dma_start3A_67 = arith.constant 0 : i32
      %dma_start3A_68 = arith.constant 0 : i32
      %dma_start3A_69 = tpu.memref_slice %arg9[%dma_start3A_67, %dma_start3A_68] : memref<125x128xf32, #tpu.memory_space<vmem>> -> memref<120x128xf32, #tpu.memory_space<vmem>>
      %dma_start3A_70 = arith.constant 0 : i32
      %dma_start3A_71 = tpu.memref_slice %arg11[%add3A_39, %dma_start3A_70] : memref<10240x128xf32, #tpu.memory_space<vmem_shared>> -> memref<120x128xf32, #tpu.memory_space<vmem_shared>>
      tpu.enqueue_dma source(%dma_start3A_71 : memref<120x128xf32, #tpu.memory_space<vmem_shared>>) target(%dma_start3A_69 : memref<120x128xf32, #tpu.memory_space<vmem>>) target_semaphore(%run_scoped3A : memref<!tpu.dma_semaphore, #tpu.memory_space<semaphore_mem>>)
      %dma_wait3A = arith.constant 0 : i32
      %dma_wait3A_72 = arith.constant 0 : i32
      %dma_wait3A_73 = tpu.memref_slice %arg9[%dma_wait3A, %dma_wait3A_72] : memref<125x128xf32, #tpu.memory_space<vmem>> -> memref<120x128xf32, #tpu.memory_space<vmem>>
      %dma_wait3A_74 = arith.constant 0 : i32
      %dma_wait3A_75 = tpu.memref_slice %arg11[%add3A_39, %dma_wait3A_74] : memref<10240x128xf32, #tpu.memory_space<vmem_shared>> -> memref<120x128xf32, #tpu.memory_space<vmem_shared>>
      %dma_wait3A_76 = arith.constant 0 : i32
      %dma_wait3A_77 = arith.constant 0 : i32
      %dma_wait3A_78 = tpu.memref_slice %arg9[%dma_wait3A_76, %dma_wait3A_77] : memref<125x128xf32, #tpu.memory_space<vmem>> -> memref<120x128xf32, #tpu.memory_space<vmem>>
      %dma_wait3A_79 = arith.constant 0 : i32
      %dma_wait3A_80 = tpu.memref_slice %arg11[%add3A_39, %dma_wait3A_79] : memref<10240x128xf32, #tpu.memory_space<vmem_shared>> -> memref<120x128xf32, #tpu.memory_space<vmem_shared>>
      tpu.wait_dma2 semaphore(%run_scoped3A : memref<!tpu.dma_semaphore, #tpu.memory_space<semaphore_mem>>) src(%dma_wait3A_80 : memref<120x128xf32, #tpu.memory_space<vmem_shared>>) dst(%dma_wait3A_78 : memref<120x128xf32, #tpu.memory_space<vmem>>)
      tpu.yield
    }) : () -> ()
    %add3A_40 = arith.constant 0 : i32
    %add3A_41 = arith.addi %mul3A_2, %add3A_40 : i32
    "tpu.region"() ({
      %run_scoped3A = tpu.sem_alloc : memref<!tpu.dma_semaphore, #tpu.memory_space<semaphore_mem>>
      %dma_start3A_62 = arith.constant 0 : i32
      %dma_start3A_63 = arith.constant 0 : i32
      %dma_start3A_64 = tpu.memref_slice %arg9[%dma_start3A_62, %dma_start3A_63] : memref<125x128xf32, #tpu.memory_space<vmem>> -> memref<120x128xf32, #tpu.memory_space<vmem>>
      %dma_start3A_65 = arith.constant 0 : i32
      %dma_start3A_66 = tpu.memref_slice %arg6[%arg0, %add3A_41, %dma_start3A_65] : memref<2x10240x128xf32, #tpu.memory_space<hbm>> -> memref<1x120x128xf32, #tpu.memory_space<hbm>>
      %dma_start3A_67 = tpu.memref_squeeze %dma_start3A_66 : memref<1x120x128xf32, #tpu.memory_space<hbm>> -> memref<120x128xf32, #tpu.memory_space<hbm>>
      %dma_start3A_68 = arith.constant 0 : i32
      %dma_start3A_69 = tpu.memref_slice %arg6[%arg0, %add3A_41, %dma_start3A_68] : memref<2x10240x128xf32, #tpu.memory_space<hbm>> -> memref<1x120x128xf32, #tpu.memory_space<hbm>>
      %dma_start3A_70 = tpu.memref_squeeze %dma_start3A_69 : memref<1x120x128xf32, #tpu.memory_space<hbm>> -> memref<120x128xf32, #tpu.memory_space<hbm>>
      %dma_start3A_71 = arith.constant 0 : i32
      %dma_start3A_72 = arith.constant 0 : i32
      %dma_start3A_73 = tpu.memref_slice %arg9[%dma_start3A_71, %dma_start3A_72] : memref<125x128xf32, #tpu.memory_space<vmem>> -> memref<120x128xf32, #tpu.memory_space<vmem>>
      tpu.enqueue_dma source(%dma_start3A_73 : memref<120x128xf32, #tpu.memory_space<vmem>>) target(%dma_start3A_70 : memref<120x128xf32, #tpu.memory_space<hbm>>) target_semaphore(%run_scoped3A : memref<!tpu.dma_semaphore, #tpu.memory_space<semaphore_mem>>)
      %dma_wait3A = arith.constant 0 : i32
      %dma_wait3A_74 = arith.constant 0 : i32
      %dma_wait3A_75 = tpu.memref_slice %arg9[%dma_wait3A, %dma_wait3A_74] : memref<125x128xf32, #tpu.memory_space<vmem>> -> memref<120x128xf32, #tpu.memory_space<vmem>>
      %dma_wait3A_76 = arith.constant 0 : i32
      %dma_wait3A_77 = tpu.memref_slice %arg6[%arg0, %add3A_41, %dma_wait3A_76] : memref<2x10240x128xf32, #tpu.memory_space<hbm>> -> memref<1x120x128xf32, #tpu.memory_space<hbm>>
      %dma_wait3A_78 = tpu.memref_squeeze %dma_wait3A_77 : memref<1x120x128xf32, #tpu.memory_space<hbm>> -> memref<120x128xf32, #tpu.memory_space<hbm>>
      %dma_wait3A_79 = arith.constant 0 : i32
      %dma_wait3A_80 = tpu.memref_slice %arg6[%arg0, %add3A_41, %dma_wait3A_79] : memref<2x10240x128xf32, #tpu.memory_space<hbm>> -> memref<1x120x128xf32, #tpu.memory_space<hbm>>
      %dma_wait3A_81 = tpu.memref_squeeze %dma_wait3A_80 : memref<1x120x128xf32, #tpu.memory_space<hbm>> -> memref<120x128xf32, #tpu.memory_space<hbm>>
      %dma_wait3A_82 = arith.constant 0 : i32
      %dma_wait3A_83 = arith.constant 0 : i32
      %dma_wait3A_84 = tpu.memref_slice %arg9[%dma_wait3A_82, %dma_wait3A_83] : memref<125x128xf32, #tpu.memory_space<vmem>> -> memref<120x128xf32, #tpu.memory_space<vmem>>
      tpu.wait_dma2 semaphore(%run_scoped3A : memref<!tpu.dma_semaphore, #tpu.memory_space<semaphore_mem>>) src(%dma_wait3A_84 : memref<120x128xf32, #tpu.memory_space<vmem>>) dst(%dma_wait3A_81 : memref<120x128xf32, #tpu.memory_space<hbm>>)
      tpu.yield
    }) : () -> ()
    %add3A_42 = arith.constant 120 : i32
    %add3A_43 = arith.addi %mul3A_2, %add3A_42 : i32
    "tpu.region"() ({
      %run_scoped3A = tpu.sem_alloc : memref<!tpu.dma_semaphore, #tpu.memory_space<semaphore_mem>>
      %dma_start3A_62 = arith.constant 0 : i32
      %dma_start3A_63 = arith.constant 0 : i32
      %dma_start3A_64 = tpu.memref_slice %arg9[%dma_start3A_62, %dma_start3A_63] : memref<125x128xf32, #tpu.memory_space<vmem>> -> memref<120x128xf32, #tpu.memory_space<vmem>>
      %dma_start3A_65 = arith.constant 0 : i32
      %dma_start3A_66 = tpu.memref_slice %arg11[%add3A_43, %dma_start3A_65] : memref<10240x128xf32, #tpu.memory_space<vmem_shared>> -> memref<120x128xf32, #tpu.memory_space<vmem_shared>>
      %dma_start3A_67 = arith.constant 0 : i32
      %dma_start3A_68 = arith.constant 0 : i32
      %dma_start3A_69 = tpu.memref_slice %arg9[%dma_start3A_67, %dma_start3A_68] : memref<125x128xf32, #tpu.memory_space<vmem>> -> memref<120x128xf32, #tpu.memory_space<vmem>>
      %dma_start3A_70 = arith.constant 0 : i32
      %dma_start3A_71 = tpu.memref_slice %arg11[%add3A_43, %dma_start3A_70] : memref<10240x128xf32, #tpu.memory_space<vmem_shared>> -> memref<120x128xf32, #tpu.memory_space<vmem_shared>>
      tpu.enqueue_dma source(%dma_start3A_71 : memref<120x128xf32, #tpu.memory_space<vmem_shared>>) target(%dma_start3A_69 : memref<120x128xf32, #tpu.memory_space<vmem>>) target_semaphore(%run_scoped3A : memref<!tpu.dma_semaphore, #tpu.memory_space<semaphore_mem>>)
      %dma_wait3A = arith.constant 0 : i32
      %dma_wait3A_72 = arith.constant 0 : i32
      %dma_wait3A_73 = tpu.memref_slice %arg9[%dma_wait3A, %dma_wait3A_72] : memref<125x128xf32, #tpu.memory_space<vmem>> -> memref<120x128xf32, #tpu.memory_space<vmem>>
      %dma_wait3A_74 = arith.constant 0 : i32
      %dma_wait3A_75 = tpu.memref_slice %arg11[%add3A_43, %dma_wait3A_74] : memref<10240x128xf32, #tpu.memory_space<vmem_shared>> -> memref<120x128xf32, #tpu.memory_space<vmem_shared>>
      %dma_wait3A_76 = arith.constant 0 : i32
      %dma_wait3A_77 = arith.constant 0 : i32
      %dma_wait3A_78 = tpu.memref_slice %arg9[%dma_wait3A_76, %dma_wait3A_77] : memref<125x128xf32, #tpu.memory_space<vmem>> -> memref<120x128xf32, #tpu.memory_space<vmem>>
      %dma_wait3A_79 = arith.constant 0 : i32
      %dma_wait3A_80 = tpu.memref_slice %arg11[%add3A_43, %dma_wait3A_79] : memref<10240x128xf32, #tpu.memory_space<vmem_shared>> -> memref<120x128xf32, #tpu.memory_space<vmem_shared>>
      tpu.wait_dma2 semaphore(%run_scoped3A : memref<!tpu.dma_semaphore, #tpu.memory_space<semaphore_mem>>) src(%dma_wait3A_80 : memref<120x128xf32, #tpu.memory_space<vmem_shared>>) dst(%dma_wait3A_78 : memref<120x128xf32, #tpu.memory_space<vmem>>)
      tpu.yield
    }) : () -> ()
    %add3A_44 = arith.constant 120 : i32
    %add3A_45 = arith.addi %mul3A_2, %add3A_44 : i32
    "tpu.region"() ({
      %run_scoped3A = tpu.sem_alloc : memref<!tpu.dma_semaphore, #tpu.memory_space<semaphore_mem>>
      %dma_start3A_62 = arith.constant 0 : i32
      %dma_start3A_63 = arith.constant 0 : i32
      %dma_start3A_64 = tpu.memref_slice %arg9[%dma_start3A_62, %dma_start3A_63] : memref<125x128xf32, #tpu.memory_space<vmem>> -> memref<120x128xf32, #tpu.memory_space<vmem>>
      %dma_start3A_65 = arith.constant 0 : i32
      %dma_start3A_66 = tpu.memref_slice %arg6[%arg0, %add3A_45, %dma_start3A_65] : memref<2x10240x128xf32, #tpu.memory_space<hbm>> -> memref<1x120x128xf32, #tpu.memory_space<hbm>>
      %dma_start3A_67 = tpu.memref_squeeze %dma_start3A_66 : memref<1x120x128xf32, #tpu.memory_space<hbm>> -> memref<120x128xf32, #tpu.memory_space<hbm>>
      %dma_start3A_68 = arith.constant 0 : i32
      %dma_start3A_69 = tpu.memref_slice %arg6[%arg0, %add3A_45, %dma_start3A_68] : memref<2x10240x128xf32, #tpu.memory_space<hbm>> -> memref<1x120x128xf32, #tpu.memory_space<hbm>>
      %dma_start3A_70 = tpu.memref_squeeze %dma_start3A_69 : memref<1x120x128xf32, #tpu.memory_space<hbm>> -> memref<120x128xf32, #tpu.memory_space<hbm>>
      %dma_start3A_71 = arith.constant 0 : i32
      %dma_start3A_72 = arith.constant 0 : i32
      %dma_start3A_73 = tpu.memref_slice %arg9[%dma_start3A_71, %dma_start3A_72] : memref<125x128xf32, #tpu.memory_space<vmem>> -> memref<120x128xf32, #tpu.memory_space<vmem>>
      tpu.enqueue_dma source(%dma_start3A_73 : memref<120x128xf32, #tpu.memory_space<vmem>>) target(%dma_start3A_70 : memref<120x128xf32, #tpu.memory_space<hbm>>) target_semaphore(%run_scoped3A : memref<!tpu.dma_semaphore, #tpu.memory_space<semaphore_mem>>)
      %dma_wait3A = arith.constant 0 : i32
      %dma_wait3A_74 = arith.constant 0 : i32
      %dma_wait3A_75 = tpu.memref_slice %arg9[%dma_wait3A, %dma_wait3A_74] : memref<125x128xf32, #tpu.memory_space<vmem>> -> memref<120x128xf32, #tpu.memory_space<vmem>>
      %dma_wait3A_76 = arith.constant 0 : i32
      %dma_wait3A_77 = tpu.memref_slice %arg6[%arg0, %add3A_45, %dma_wait3A_76] : memref<2x10240x128xf32, #tpu.memory_space<hbm>> -> memref<1x120x128xf32, #tpu.memory_space<hbm>>
      %dma_wait3A_78 = tpu.memref_squeeze %dma_wait3A_77 : memref<1x120x128xf32, #tpu.memory_space<hbm>> -> memref<120x128xf32, #tpu.memory_space<hbm>>
      %dma_wait3A_79 = arith.constant 0 : i32
      %dma_wait3A_80 = tpu.memref_slice %arg6[%arg0, %add3A_45, %dma_wait3A_79] : memref<2x10240x128xf32, #tpu.memory_space<hbm>> -> memref<1x120x128xf32, #tpu.memory_space<hbm>>
      %dma_wait3A_81 = tpu.memref_squeeze %dma_wait3A_80 : memref<1x120x128xf32, #tpu.memory_space<hbm>> -> memref<120x128xf32, #tpu.memory_space<hbm>>
      %dma_wait3A_82 = arith.constant 0 : i32
      %dma_wait3A_83 = arith.constant 0 : i32
      %dma_wait3A_84 = tpu.memref_slice %arg9[%dma_wait3A_82, %dma_wait3A_83] : memref<125x128xf32, #tpu.memory_space<vmem>> -> memref<120x128xf32, #tpu.memory_space<vmem>>
      tpu.wait_dma2 semaphore(%run_scoped3A : memref<!tpu.dma_semaphore, #tpu.memory_space<semaphore_mem>>) src(%dma_wait3A_84 : memref<120x128xf32, #tpu.memory_space<vmem>>) dst(%dma_wait3A_81 : memref<120x128xf32, #tpu.memory_space<hbm>>)
      tpu.yield
    }) : () -> ()
    %add3A_46 = arith.constant 240 : i32
    %add3A_47 = arith.addi %mul3A_2, %add3A_46 : i32
    "tpu.region"() ({
      %run_scoped3A = tpu.sem_alloc : memref<!tpu.dma_semaphore, #tpu.memory_space<semaphore_mem>>
      %dma_start3A_62 = arith.constant 0 : i32
      %dma_start3A_63 = arith.constant 0 : i32
      %dma_start3A_64 = tpu.memref_slice %arg9[%dma_start3A_62, %dma_start3A_63] : memref<125x128xf32, #tpu.memory_space<vmem>> -> memref<120x128xf32, #tpu.memory_space<vmem>>
      %dma_start3A_65 = arith.constant 0 : i32
      %dma_start3A_66 = tpu.memref_slice %arg11[%add3A_47, %dma_start3A_65] : memref<10240x128xf32, #tpu.memory_space<vmem_shared>> -> memref<120x128xf32, #tpu.memory_space<vmem_shared>>
      %dma_start3A_67 = arith.constant 0 : i32
      %dma_start3A_68 = arith.constant 0 : i32
      %dma_start3A_69 = tpu.memref_slice %arg9[%dma_start3A_67, %dma_start3A_68] : memref<125x128xf32, #tpu.memory_space<vmem>> -> memref<120x128xf32, #tpu.memory_space<vmem>>
      %dma_start3A_70 = arith.constant 0 : i32
      %dma_start3A_71 = tpu.memref_slice %arg11[%add3A_47, %dma_start3A_70] : memref<10240x128xf32, #tpu.memory_space<vmem_shared>> -> memref<120x128xf32, #tpu.memory_space<vmem_shared>>
      tpu.enqueue_dma source(%dma_start3A_71 : memref<120x128xf32, #tpu.memory_space<vmem_shared>>) target(%dma_start3A_69 : memref<120x128xf32, #tpu.memory_space<vmem>>) target_semaphore(%run_scoped3A : memref<!tpu.dma_semaphore, #tpu.memory_space<semaphore_mem>>)
      %dma_wait3A = arith.constant 0 : i32
      %dma_wait3A_72 = arith.constant 0 : i32
      %dma_wait3A_73 = tpu.memref_slice %arg9[%dma_wait3A, %dma_wait3A_72] : memref<125x128xf32, #tpu.memory_space<vmem>> -> memref<120x128xf32, #tpu.memory_space<vmem>>
      %dma_wait3A_74 = arith.constant 0 : i32
      %dma_wait3A_75 = tpu.memref_slice %arg11[%add3A_47, %dma_wait3A_74] : memref<10240x128xf32, #tpu.memory_space<vmem_shared>> -> memref<120x128xf32, #tpu.memory_space<vmem_shared>>
      %dma_wait3A_76 = arith.constant 0 : i32
      %dma_wait3A_77 = arith.constant 0 : i32
      %dma_wait3A_78 = tpu.memref_slice %arg9[%dma_wait3A_76, %dma_wait3A_77] : memref<125x128xf32, #tpu.memory_space<vmem>> -> memref<120x128xf32, #tpu.memory_space<vmem>>
      %dma_wait3A_79 = arith.constant 0 : i32
      %dma_wait3A_80 = tpu.memref_slice %arg11[%add3A_47, %dma_wait3A_79] : memref<10240x128xf32, #tpu.memory_space<vmem_shared>> -> memref<120x128xf32, #tpu.memory_space<vmem_shared>>
      tpu.wait_dma2 semaphore(%run_scoped3A : memref<!tpu.dma_semaphore, #tpu.memory_space<semaphore_mem>>) src(%dma_wait3A_80 : memref<120x128xf32, #tpu.memory_space<vmem_shared>>) dst(%dma_wait3A_78 : memref<120x128xf32, #tpu.memory_space<vmem>>)
      tpu.yield
    }) : () -> ()
    %add3A_48 = arith.constant 240 : i32
    %add3A_49 = arith.addi %mul3A_2, %add3A_48 : i32
    "tpu.region"() ({
      %run_scoped3A = tpu.sem_alloc : memref<!tpu.dma_semaphore, #tpu.memory_space<semaphore_mem>>
      %dma_start3A_62 = arith.constant 0 : i32
      %dma_start3A_63 = arith.constant 0 : i32
      %dma_start3A_64 = tpu.memref_slice %arg9[%dma_start3A_62, %dma_start3A_63] : memref<125x128xf32, #tpu.memory_space<vmem>> -> memref<120x128xf32, #tpu.memory_space<vmem>>
      %dma_start3A_65 = arith.constant 0 : i32
      %dma_start3A_66 = tpu.memref_slice %arg6[%arg0, %add3A_49, %dma_start3A_65] : memref<2x10240x128xf32, #tpu.memory_space<hbm>> -> memref<1x120x128xf32, #tpu.memory_space<hbm>>
      %dma_start3A_67 = tpu.memref_squeeze %dma_start3A_66 : memref<1x120x128xf32, #tpu.memory_space<hbm>> -> memref<120x128xf32, #tpu.memory_space<hbm>>
      %dma_start3A_68 = arith.constant 0 : i32
      %dma_start3A_69 = tpu.memref_slice %arg6[%arg0, %add3A_49, %dma_start3A_68] : memref<2x10240x128xf32, #tpu.memory_space<hbm>> -> memref<1x120x128xf32, #tpu.memory_space<hbm>>
      %dma_start3A_70 = tpu.memref_squeeze %dma_start3A_69 : memref<1x120x128xf32, #tpu.memory_space<hbm>> -> memref<120x128xf32, #tpu.memory_space<hbm>>
      %dma_start3A_71 = arith.constant 0 : i32
      %dma_start3A_72 = arith.constant 0 : i32
      %dma_start3A_73 = tpu.memref_slice %arg9[%dma_start3A_71, %dma_start3A_72] : memref<125x128xf32, #tpu.memory_space<vmem>> -> memref<120x128xf32, #tpu.memory_space<vmem>>
      tpu.enqueue_dma source(%dma_start3A_73 : memref<120x128xf32, #tpu.memory_space<vmem>>) target(%dma_start3A_70 : memref<120x128xf32, #tpu.memory_space<hbm>>) target_semaphore(%run_scoped3A : memref<!tpu.dma_semaphore, #tpu.memory_space<semaphore_mem>>)
      %dma_wait3A = arith.constant 0 : i32
      %dma_wait3A_74 = arith.constant 0 : i32
      %dma_wait3A_75 = tpu.memref_slice %arg9[%dma_wait3A, %dma_wait3A_74] : memref<125x128xf32, #tpu.memory_space<vmem>> -> memref<120x128xf32, #tpu.memory_space<vmem>>
      %dma_wait3A_76 = arith.constant 0 : i32
      %dma_wait3A_77 = tpu.memref_slice %arg6[%arg0, %add3A_49, %dma_wait3A_76] : memref<2x10240x128xf32, #tpu.memory_space<hbm>> -> memref<1x120x128xf32, #tpu.memory_space<hbm>>
      %dma_wait3A_78 = tpu.memref_squeeze %dma_wait3A_77 : memref<1x120x128xf32, #tpu.memory_space<hbm>> -> memref<120x128xf32, #tpu.memory_space<hbm>>
      %dma_wait3A_79 = arith.constant 0 : i32
      %dma_wait3A_80 = tpu.memref_slice %arg6[%arg0, %add3A_49, %dma_wait3A_79] : memref<2x10240x128xf32, #tpu.memory_space<hbm>> -> memref<1x120x128xf32, #tpu.memory_space<hbm>>
      %dma_wait3A_81 = tpu.memref_squeeze %dma_wait3A_80 : memref<1x120x128xf32, #tpu.memory_space<hbm>> -> memref<120x128xf32, #tpu.memory_space<hbm>>
      %dma_wait3A_82 = arith.constant 0 : i32
      %dma_wait3A_83 = arith.constant 0 : i32
      %dma_wait3A_84 = tpu.memref_slice %arg9[%dma_wait3A_82, %dma_wait3A_83] : memref<125x128xf32, #tpu.memory_space<vmem>> -> memref<120x128xf32, #tpu.memory_space<vmem>>
      tpu.wait_dma2 semaphore(%run_scoped3A : memref<!tpu.dma_semaphore, #tpu.memory_space<semaphore_mem>>) src(%dma_wait3A_84 : memref<120x128xf32, #tpu.memory_space<vmem>>) dst(%dma_wait3A_81 : memref<120x128xf32, #tpu.memory_space<hbm>>)
      tpu.yield
    }) : () -> ()
    %add3A_50 = arith.constant 360 : i32
    %add3A_51 = arith.addi %mul3A_2, %add3A_50 : i32
    "tpu.region"() ({
      %run_scoped3A = tpu.sem_alloc : memref<!tpu.dma_semaphore, #tpu.memory_space<semaphore_mem>>
      %dma_start3A_62 = arith.constant 0 : i32
      %dma_start3A_63 = arith.constant 0 : i32
      %dma_start3A_64 = tpu.memref_slice %arg9[%dma_start3A_62, %dma_start3A_63] : memref<125x128xf32, #tpu.memory_space<vmem>> -> memref<120x128xf32, #tpu.memory_space<vmem>>
      %dma_start3A_65 = arith.constant 0 : i32
      %dma_start3A_66 = tpu.memref_slice %arg11[%add3A_51, %dma_start3A_65] : memref<10240x128xf32, #tpu.memory_space<vmem_shared>> -> memref<120x128xf32, #tpu.memory_space<vmem_shared>>
      %dma_start3A_67 = arith.constant 0 : i32
      %dma_start3A_68 = arith.constant 0 : i32
      %dma_start3A_69 = tpu.memref_slice %arg9[%dma_start3A_67, %dma_start3A_68] : memref<125x128xf32, #tpu.memory_space<vmem>> -> memref<120x128xf32, #tpu.memory_space<vmem>>
      %dma_start3A_70 = arith.constant 0 : i32
      %dma_start3A_71 = tpu.memref_slice %arg11[%add3A_51, %dma_start3A_70] : memref<10240x128xf32, #tpu.memory_space<vmem_shared>> -> memref<120x128xf32, #tpu.memory_space<vmem_shared>>
      tpu.enqueue_dma source(%dma_start3A_71 : memref<120x128xf32, #tpu.memory_space<vmem_shared>>) target(%dma_start3A_69 : memref<120x128xf32, #tpu.memory_space<vmem>>) target_semaphore(%run_scoped3A : memref<!tpu.dma_semaphore, #tpu.memory_space<semaphore_mem>>)
      %dma_wait3A = arith.constant 0 : i32
      %dma_wait3A_72 = arith.constant 0 : i32
      %dma_wait3A_73 = tpu.memref_slice %arg9[%dma_wait3A, %dma_wait3A_72] : memref<125x128xf32, #tpu.memory_space<vmem>> -> memref<120x128xf32, #tpu.memory_space<vmem>>
      %dma_wait3A_74 = arith.constant 0 : i32
      %dma_wait3A_75 = tpu.memref_slice %arg11[%add3A_51, %dma_wait3A_74] : memref<10240x128xf32, #tpu.memory_space<vmem_shared>> -> memref<120x128xf32, #tpu.memory_space<vmem_shared>>
      %dma_wait3A_76 = arith.constant 0 : i32
      %dma_wait3A_77 = arith.constant 0 : i32
      %dma_wait3A_78 = tpu.memref_slice %arg9[%dma_wait3A_76, %dma_wait3A_77] : memref<125x128xf32, #tpu.memory_space<vmem>> -> memref<120x128xf32, #tpu.memory_space<vmem>>
      %dma_wait3A_79 = arith.constant 0 : i32
      %dma_wait3A_80 = tpu.memref_slice %arg11[%add3A_51, %dma_wait3A_79] : memref<10240x128xf32, #tpu.memory_space<vmem_shared>> -> memref<120x128xf32, #tpu.memory_space<vmem_shared>>
      tpu.wait_dma2 semaphore(%run_scoped3A : memref<!tpu.dma_semaphore, #tpu.memory_space<semaphore_mem>>) src(%dma_wait3A_80 : memref<120x128xf32, #tpu.memory_space<vmem_shared>>) dst(%dma_wait3A_78 : memref<120x128xf32, #tpu.memory_space<vmem>>)
      tpu.yield
    }) : () -> ()
    %add3A_52 = arith.constant 360 : i32
    %add3A_53 = arith.addi %mul3A_2, %add3A_52 : i32
    "tpu.region"() ({
      %run_scoped3A = tpu.sem_alloc : memref<!tpu.dma_semaphore, #tpu.memory_space<semaphore_mem>>
      %dma_start3A_62 = arith.constant 0 : i32
      %dma_start3A_63 = arith.constant 0 : i32
      %dma_start3A_64 = tpu.memref_slice %arg9[%dma_start3A_62, %dma_start3A_63] : memref<125x128xf32, #tpu.memory_space<vmem>> -> memref<120x128xf32, #tpu.memory_space<vmem>>
      %dma_start3A_65 = arith.constant 0 : i32
      %dma_start3A_66 = tpu.memref_slice %arg6[%arg0, %add3A_53, %dma_start3A_65] : memref<2x10240x128xf32, #tpu.memory_space<hbm>> -> memref<1x120x128xf32, #tpu.memory_space<hbm>>
      %dma_start3A_67 = tpu.memref_squeeze %dma_start3A_66 : memref<1x120x128xf32, #tpu.memory_space<hbm>> -> memref<120x128xf32, #tpu.memory_space<hbm>>
      %dma_start3A_68 = arith.constant 0 : i32
      %dma_start3A_69 = tpu.memref_slice %arg6[%arg0, %add3A_53, %dma_start3A_68] : memref<2x10240x128xf32, #tpu.memory_space<hbm>> -> memref<1x120x128xf32, #tpu.memory_space<hbm>>
      %dma_start3A_70 = tpu.memref_squeeze %dma_start3A_69 : memref<1x120x128xf32, #tpu.memory_space<hbm>> -> memref<120x128xf32, #tpu.memory_space<hbm>>
      %dma_start3A_71 = arith.constant 0 : i32
      %dma_start3A_72 = arith.constant 0 : i32
      %dma_start3A_73 = tpu.memref_slice %arg9[%dma_start3A_71, %dma_start3A_72] : memref<125x128xf32, #tpu.memory_space<vmem>> -> memref<120x128xf32, #tpu.memory_space<vmem>>
      tpu.enqueue_dma source(%dma_start3A_73 : memref<120x128xf32, #tpu.memory_space<vmem>>) target(%dma_start3A_70 : memref<120x128xf32, #tpu.memory_space<hbm>>) target_semaphore(%run_scoped3A : memref<!tpu.dma_semaphore, #tpu.memory_space<semaphore_mem>>)
      %dma_wait3A = arith.constant 0 : i32
      %dma_wait3A_74 = arith.constant 0 : i32
      %dma_wait3A_75 = tpu.memref_slice %arg9[%dma_wait3A, %dma_wait3A_74] : memref<125x128xf32, #tpu.memory_space<vmem>> -> memref<120x128xf32, #tpu.memory_space<vmem>>
      %dma_wait3A_76 = arith.constant 0 : i32
      %dma_wait3A_77 = tpu.memref_slice %arg6[%arg0, %add3A_53, %dma_wait3A_76] : memref<2x10240x128xf32, #tpu.memory_space<hbm>> -> memref<1x120x128xf32, #tpu.memory_space<hbm>>
      %dma_wait3A_78 = tpu.memref_squeeze %dma_wait3A_77 : memref<1x120x128xf32, #tpu.memory_space<hbm>> -> memref<120x128xf32, #tpu.memory_space<hbm>>
      %dma_wait3A_79 = arith.constant 0 : i32
      %dma_wait3A_80 = tpu.memref_slice %arg6[%arg0, %add3A_53, %dma_wait3A_79] : memref<2x10240x128xf32, #tpu.memory_space<hbm>> -> memref<1x120x128xf32, #tpu.memory_space<hbm>>
      %dma_wait3A_81 = tpu.memref_squeeze %dma_wait3A_80 : memref<1x120x128xf32, #tpu.memory_space<hbm>> -> memref<120x128xf32, #tpu.memory_space<hbm>>
      %dma_wait3A_82 = arith.constant 0 : i32
      %dma_wait3A_83 = arith.constant 0 : i32
      %dma_wait3A_84 = tpu.memref_slice %arg9[%dma_wait3A_82, %dma_wait3A_83] : memref<125x128xf32, #tpu.memory_space<vmem>> -> memref<120x128xf32, #tpu.memory_space<vmem>>
      tpu.wait_dma2 semaphore(%run_scoped3A : memref<!tpu.dma_semaphore, #tpu.memory_space<semaphore_mem>>) src(%dma_wait3A_84 : memref<120x128xf32, #tpu.memory_space<vmem>>) dst(%dma_wait3A_81 : memref<120x128xf32, #tpu.memory_space<hbm>>)
      tpu.yield
    }) : () -> ()
    %add3A_54 = arith.constant 480 : i32
    %add3A_55 = arith.addi %mul3A_2, %add3A_54 : i32
    "tpu.region"() ({
      %run_scoped3A = tpu.sem_alloc : memref<!tpu.dma_semaphore, #tpu.memory_space<semaphore_mem>>
      %dma_start3A_62 = arith.constant 0 : i32
      %dma_start3A_63 = arith.constant 0 : i32
      %dma_start3A_64 = tpu.memref_slice %arg9[%dma_start3A_62, %dma_start3A_63] : memref<125x128xf32, #tpu.memory_space<vmem>> -> memref<120x128xf32, #tpu.memory_space<vmem>>
      %dma_start3A_65 = arith.constant 0 : i32
      %dma_start3A_66 = tpu.memref_slice %arg11[%add3A_55, %dma_start3A_65] : memref<10240x128xf32, #tpu.memory_space<vmem_shared>> -> memref<120x128xf32, #tpu.memory_space<vmem_shared>>
      %dma_start3A_67 = arith.constant 0 : i32
      %dma_start3A_68 = arith.constant 0 : i32
      %dma_start3A_69 = tpu.memref_slice %arg9[%dma_start3A_67, %dma_start3A_68] : memref<125x128xf32, #tpu.memory_space<vmem>> -> memref<120x128xf32, #tpu.memory_space<vmem>>
      %dma_start3A_70 = arith.constant 0 : i32
      %dma_start3A_71 = tpu.memref_slice %arg11[%add3A_55, %dma_start3A_70] : memref<10240x128xf32, #tpu.memory_space<vmem_shared>> -> memref<120x128xf32, #tpu.memory_space<vmem_shared>>
      tpu.enqueue_dma source(%dma_start3A_71 : memref<120x128xf32, #tpu.memory_space<vmem_shared>>) target(%dma_start3A_69 : memref<120x128xf32, #tpu.memory_space<vmem>>) target_semaphore(%run_scoped3A : memref<!tpu.dma_semaphore, #tpu.memory_space<semaphore_mem>>)
      %dma_wait3A = arith.constant 0 : i32
      %dma_wait3A_72 = arith.constant 0 : i32
      %dma_wait3A_73 = tpu.memref_slice %arg9[%dma_wait3A, %dma_wait3A_72] : memref<125x128xf32, #tpu.memory_space<vmem>> -> memref<120x128xf32, #tpu.memory_space<vmem>>
      %dma_wait3A_74 = arith.constant 0 : i32
      %dma_wait3A_75 = tpu.memref_slice %arg11[%add3A_55, %dma_wait3A_74] : memref<10240x128xf32, #tpu.memory_space<vmem_shared>> -> memref<120x128xf32, #tpu.memory_space<vmem_shared>>
      %dma_wait3A_76 = arith.constant 0 : i32
      %dma_wait3A_77 = arith.constant 0 : i32
      %dma_wait3A_78 = tpu.memref_slice %arg9[%dma_wait3A_76, %dma_wait3A_77] : memref<125x128xf32, #tpu.memory_space<vmem>> -> memref<120x128xf32, #tpu.memory_space<vmem>>
      %dma_wait3A_79 = arith.constant 0 : i32
      %dma_wait3A_80 = tpu.memref_slice %arg11[%add3A_55, %dma_wait3A_79] : memref<10240x128xf32, #tpu.memory_space<vmem_shared>> -> memref<120x128xf32, #tpu.memory_space<vmem_shared>>
      tpu.wait_dma2 semaphore(%run_scoped3A : memref<!tpu.dma_semaphore, #tpu.memory_space<semaphore_mem>>) src(%dma_wait3A_80 : memref<120x128xf32, #tpu.memory_space<vmem_shared>>) dst(%dma_wait3A_78 : memref<120x128xf32, #tpu.memory_space<vmem>>)
      tpu.yield
    }) : () -> ()
    %add3A_56 = arith.constant 480 : i32
    %add3A_57 = arith.addi %mul3A_2, %add3A_56 : i32
    "tpu.region"() ({
      %run_scoped3A = tpu.sem_alloc : memref<!tpu.dma_semaphore, #tpu.memory_space<semaphore_mem>>
      %dma_start3A_62 = arith.constant 0 : i32
      %dma_start3A_63 = arith.constant 0 : i32
      %dma_start3A_64 = tpu.memref_slice %arg9[%dma_start3A_62, %dma_start3A_63] : memref<125x128xf32, #tpu.memory_space<vmem>> -> memref<120x128xf32, #tpu.memory_space<vmem>>
      %dma_start3A_65 = arith.constant 0 : i32
      %dma_start3A_66 = tpu.memref_slice %arg6[%arg0, %add3A_57, %dma_start3A_65] : memref<2x10240x128xf32, #tpu.memory_space<hbm>> -> memref<1x120x128xf32, #tpu.memory_space<hbm>>
      %dma_start3A_67 = tpu.memref_squeeze %dma_start3A_66 : memref<1x120x128xf32, #tpu.memory_space<hbm>> -> memref<120x128xf32, #tpu.memory_space<hbm>>
      %dma_start3A_68 = arith.constant 0 : i32
      %dma_start3A_69 = tpu.memref_slice %arg6[%arg0, %add3A_57, %dma_start3A_68] : memref<2x10240x128xf32, #tpu.memory_space<hbm>> -> memref<1x120x128xf32, #tpu.memory_space<hbm>>
      %dma_start3A_70 = tpu.memref_squeeze %dma_start3A_69 : memref<1x120x128xf32, #tpu.memory_space<hbm>> -> memref<120x128xf32, #tpu.memory_space<hbm>>
      %dma_start3A_71 = arith.constant 0 : i32
      %dma_start3A_72 = arith.constant 0 : i32
      %dma_start3A_73 = tpu.memref_slice %arg9[%dma_start3A_71, %dma_start3A_72] : memref<125x128xf32, #tpu.memory_space<vmem>> -> memref<120x128xf32, #tpu.memory_space<vmem>>
      tpu.enqueue_dma source(%dma_start3A_73 : memref<120x128xf32, #tpu.memory_space<vmem>>) target(%dma_start3A_70 : memref<120x128xf32, #tpu.memory_space<hbm>>) target_semaphore(%run_scoped3A : memref<!tpu.dma_semaphore, #tpu.memory_space<semaphore_mem>>)
      %dma_wait3A = arith.constant 0 : i32
      %dma_wait3A_74 = arith.constant 0 : i32
      %dma_wait3A_75 = tpu.memref_slice %arg9[%dma_wait3A, %dma_wait3A_74] : memref<125x128xf32, #tpu.memory_space<vmem>> -> memref<120x128xf32, #tpu.memory_space<vmem>>
      %dma_wait3A_76 = arith.constant 0 : i32
      %dma_wait3A_77 = tpu.memref_slice %arg6[%arg0, %add3A_57, %dma_wait3A_76] : memref<2x10240x128xf32, #tpu.memory_space<hbm>> -> memref<1x120x128xf32, #tpu.memory_space<hbm>>
      %dma_wait3A_78 = tpu.memref_squeeze %dma_wait3A_77 : memref<1x120x128xf32, #tpu.memory_space<hbm>> -> memref<120x128xf32, #tpu.memory_space<hbm>>
      %dma_wait3A_79 = arith.constant 0 : i32
      %dma_wait3A_80 = tpu.memref_slice %arg6[%arg0, %add3A_57, %dma_wait3A_79] : memref<2x10240x128xf32, #tpu.memory_space<hbm>> -> memref<1x120x128xf32, #tpu.memory_space<hbm>>
      %dma_wait3A_81 = tpu.memref_squeeze %dma_wait3A_80 : memref<1x120x128xf32, #tpu.memory_space<hbm>> -> memref<120x128xf32, #tpu.memory_space<hbm>>
      %dma_wait3A_82 = arith.constant 0 : i32
      %dma_wait3A_83 = arith.constant 0 : i32
      %dma_wait3A_84 = tpu.memref_slice %arg9[%dma_wait3A_82, %dma_wait3A_83] : memref<125x128xf32, #tpu.memory_space<vmem>> -> memref<120x128xf32, #tpu.memory_space<vmem>>
      tpu.wait_dma2 semaphore(%run_scoped3A : memref<!tpu.dma_semaphore, #tpu.memory_space<semaphore_mem>>) src(%dma_wait3A_84 : memref<120x128xf32, #tpu.memory_space<vmem>>) dst(%dma_wait3A_81 : memref<120x128xf32, #tpu.memory_space<hbm>>)
      tpu.yield
    }) : () -> ()
    %add3A_58 = arith.constant 600 : i32
    %add3A_59 = arith.addi %mul3A_2, %add3A_58 : i32
    "tpu.region"() ({
      %run_scoped3A = tpu.sem_alloc : memref<!tpu.dma_semaphore, #tpu.memory_space<semaphore_mem>>
      %dma_start3A_62 = arith.constant 0 : i32
      %dma_start3A_63 = arith.constant 0 : i32
      %dma_start3A_64 = tpu.memref_slice %arg9[%dma_start3A_62, %dma_start3A_63] : memref<125x128xf32, #tpu.memory_space<vmem>> -> memref<40x128xf32, #tpu.memory_space<vmem>>
      %dma_start3A_65 = arith.constant 0 : i32
      %dma_start3A_66 = tpu.memref_slice %arg11[%add3A_59, %dma_start3A_65] : memref<10240x128xf32, #tpu.memory_space<vmem_shared>> -> memref<40x128xf32, #tpu.memory_space<vmem_shared>>
      %dma_start3A_67 = arith.constant 0 : i32
      %dma_start3A_68 = arith.constant 0 : i32
      %dma_start3A_69 = tpu.memref_slice %arg9[%dma_start3A_67, %dma_start3A_68] : memref<125x128xf32, #tpu.memory_space<vmem>> -> memref<40x128xf32, #tpu.memory_space<vmem>>
      %dma_start3A_70 = arith.constant 0 : i32
      %dma_start3A_71 = tpu.memref_slice %arg11[%add3A_59, %dma_start3A_70] : memref<10240x128xf32, #tpu.memory_space<vmem_shared>> -> memref<40x128xf32, #tpu.memory_space<vmem_shared>>
      tpu.enqueue_dma source(%dma_start3A_71 : memref<40x128xf32, #tpu.memory_space<vmem_shared>>) target(%dma_start3A_69 : memref<40x128xf32, #tpu.memory_space<vmem>>) target_semaphore(%run_scoped3A : memref<!tpu.dma_semaphore, #tpu.memory_space<semaphore_mem>>)
      %dma_wait3A = arith.constant 0 : i32
      %dma_wait3A_72 = arith.constant 0 : i32
      %dma_wait3A_73 = tpu.memref_slice %arg9[%dma_wait3A, %dma_wait3A_72] : memref<125x128xf32, #tpu.memory_space<vmem>> -> memref<40x128xf32, #tpu.memory_space<vmem>>
      %dma_wait3A_74 = arith.constant 0 : i32
      %dma_wait3A_75 = tpu.memref_slice %arg11[%add3A_59, %dma_wait3A_74] : memref<10240x128xf32, #tpu.memory_space<vmem_shared>> -> memref<40x128xf32, #tpu.memory_space<vmem_shared>>
      %dma_wait3A_76 = arith.constant 0 : i32
      %dma_wait3A_77 = arith.constant 0 : i32
      %dma_wait3A_78 = tpu.memref_slice %arg9[%dma_wait3A_76, %dma_wait3A_77] : memref<125x128xf32, #tpu.memory_space<vmem>> -> memref<40x128xf32, #tpu.memory_space<vmem>>
      %dma_wait3A_79 = arith.constant 0 : i32
      %dma_wait3A_80 = tpu.memref_slice %arg11[%add3A_59, %dma_wait3A_79] : memref<10240x128xf32, #tpu.memory_space<vmem_shared>> -> memref<40x128xf32, #tpu.memory_space<vmem_shared>>
      tpu.wait_dma2 semaphore(%run_scoped3A : memref<!tpu.dma_semaphore, #tpu.memory_space<semaphore_mem>>) src(%dma_wait3A_80 : memref<40x128xf32, #tpu.memory_space<vmem_shared>>) dst(%dma_wait3A_78 : memref<40x128xf32, #tpu.memory_space<vmem>>)
      tpu.yield
    }) : () -> ()
    %add3A_60 = arith.constant 600 : i32
    %add3A_61 = arith.addi %mul3A_2, %add3A_60 : i32
    "tpu.region"() ({
      %run_scoped3A = tpu.sem_alloc : memref<!tpu.dma_semaphore, #tpu.memory_space<semaphore_mem>>
      %dma_start3A_62 = arith.constant 0 : i32
      %dma_start3A_63 = arith.constant 0 : i32
      %dma_start3A_64 = tpu.memref_slice %arg9[%dma_start3A_62, %dma_start3A_63] : memref<125x128xf32, #tpu.memory_space<vmem>> -> memref<40x128xf32, #tpu.memory_space<vmem>>
      %dma_start3A_65 = arith.constant 0 : i32
      %dma_start3A_66 = tpu.memref_slice %arg6[%arg0, %add3A_61, %dma_start3A_65] : memref<2x10240x128xf32, #tpu.memory_space<hbm>> -> memref<1x40x128xf32, #tpu.memory_space<hbm>>
      %dma_start3A_67 = tpu.memref_squeeze %dma_start3A_66 : memref<1x40x128xf32, #tpu.memory_space<hbm>> -> memref<40x128xf32, #tpu.memory_space<hbm>>
      %dma_start3A_68 = arith.constant 0 : i32
      %dma_start3A_69 = tpu.memref_slice %arg6[%arg0, %add3A_61, %dma_start3A_68] : memref<2x10240x128xf32, #tpu.memory_space<hbm>> -> memref<1x40x128xf32, #tpu.memory_space<hbm>>
      %dma_start3A_70 = tpu.memref_squeeze %dma_start3A_69 : memref<1x40x128xf32, #tpu.memory_space<hbm>> -> memref<40x128xf32, #tpu.memory_space<hbm>>
      %dma_start3A_71 = arith.constant 0 : i32
      %dma_start3A_72 = arith.constant 0 : i32
      %dma_start3A_73 = tpu.memref_slice %arg9[%dma_start3A_71, %dma_start3A_72] : memref<125x128xf32, #tpu.memory_space<vmem>> -> memref<40x128xf32, #tpu.memory_space<vmem>>
      tpu.enqueue_dma source(%dma_start3A_73 : memref<40x128xf32, #tpu.memory_space<vmem>>) target(%dma_start3A_70 : memref<40x128xf32, #tpu.memory_space<hbm>>) target_semaphore(%run_scoped3A : memref<!tpu.dma_semaphore, #tpu.memory_space<semaphore_mem>>)
      %dma_wait3A = arith.constant 0 : i32
      %dma_wait3A_74 = arith.constant 0 : i32
      %dma_wait3A_75 = tpu.memref_slice %arg9[%dma_wait3A, %dma_wait3A_74] : memref<125x128xf32, #tpu.memory_space<vmem>> -> memref<40x128xf32, #tpu.memory_space<vmem>>
      %dma_wait3A_76 = arith.constant 0 : i32
      %dma_wait3A_77 = tpu.memref_slice %arg6[%arg0, %add3A_61, %dma_wait3A_76] : memref<2x10240x128xf32, #tpu.memory_space<hbm>> -> memref<1x40x128xf32, #tpu.memory_space<hbm>>
      %dma_wait3A_78 = tpu.memref_squeeze %dma_wait3A_77 : memref<1x40x128xf32, #tpu.memory_space<hbm>> -> memref<40x128xf32, #tpu.memory_space<hbm>>
      %dma_wait3A_79 = arith.constant 0 : i32
      %dma_wait3A_80 = tpu.memref_slice %arg6[%arg0, %add3A_61, %dma_wait3A_79] : memref<2x10240x128xf32, #tpu.memory_space<hbm>> -> memref<1x40x128xf32, #tpu.memory_space<hbm>>
      %dma_wait3A_81 = tpu.memref_squeeze %dma_wait3A_80 : memref<1x40x128xf32, #tpu.memory_space<hbm>> -> memref<40x128xf32, #tpu.memory_space<hbm>>
      %dma_wait3A_82 = arith.constant 0 : i32
      %dma_wait3A_83 = arith.constant 0 : i32
      %dma_wait3A_84 = tpu.memref_slice %arg9[%dma_wait3A_82, %dma_wait3A_83] : memref<125x128xf32, #tpu.memory_space<vmem>> -> memref<40x128xf32, #tpu.memory_space<vmem>>
      tpu.wait_dma2 semaphore(%run_scoped3A : memref<!tpu.dma_semaphore, #tpu.memory_space<semaphore_mem>>) src(%dma_wait3A_84 : memref<40x128xf32, #tpu.memory_space<vmem>>) dst(%dma_wait3A_81 : memref<40x128xf32, #tpu.memory_space<hbm>>)
      tpu.yield
    }) : () -> ()
    return
  }
}

module attributes {stable_mosaic.version = 14 : i64} {
  func.func @_mm_body(%arg0: i32, %arg1: memref<1000x128xf32, #tpu.memory_space<vmem>>, %arg2: memref<128x128xf32, #tpu.memory_space<vmem>>, %arg3: memref<1000x128xf32, #tpu.memory_space<vmem>>) attributes {dimension_semantics = [#tpu.dimension_semantics<arbitrary>], iteration_bounds = array<i64: 10>, scalar_prefetch = 0 : i64, scratch_operands = 0 : i64, tpu.core_type = #tpu.core_type<tc>, window_params = [{transform_indices = @transform_0, window_bounds = array<i64: 1000, 128>}, {pipeline_mode = #tpu.pipeline_mode<synchronous>, transform_indices = @transform_1, window_bounds = array<i64: 128, 128>}, {transform_indices = @transform_2, window_bounds = array<i64: 1000, 128>}]} {
    %get3A = arith.constant 0 : index
    %get3A_0 = arith.constant 0 : index
    %get3A_1 = vector.load %arg1[%get3A, %get3A_0] : memref<1000x128xf32, #tpu.memory_space<vmem>>, vector<1000x128xf32>
    %get3A_2 = arith.constant 0 : index
    %get3A_3 = arith.constant 0 : index
    %get3A_4 = vector.load %arg2[%get3A_2, %get3A_3] : memref<128x128xf32, #tpu.memory_space<vmem>>, vector<128x128xf32>
    %dot_general3A = arith.constant dense<0.000000e+00> : vector<1000x128xf32>
    %dot_general3A_5 = tpu.matmul %get3A_1, %get3A_4, %dot_general3A {dimension_numbers = #tpu.dot_dimension_numbers<[1], [0], [0], [1], [0, 0, 1, 1], [], []>, transpose_lhs_hint = false} : vector<1000x128xf32>, vector<128x128xf32>, vector<1000x128xf32> -> vector<1000x128xf32>
    %swap3A = arith.constant 0 : index
    %swap3A_6 = arith.constant 0 : index
    %swap3A_7 = vector.load %arg3[%swap3A, %swap3A_6] : memref<1000x128xf32, #tpu.memory_space<vmem>>, vector<1000x128xf32>
    tpu.vector_store %arg3[%swap3A, %swap3A_6], %dot_general3A_5 {strides = array<i32>} : memref<1000x128xf32, #tpu.memory_space<vmem>>, vector<1000x128xf32>,
    return
  }
  func.func @transform_0(%arg0: i32) -> (i32, i32) {
    %c0_i32 = arith.constant 0 : i32
    %c0_i32_0 = arith.constant 0 : i32
    return %arg0, %c0_i32 : i32, i32
  }
  func.func @transform_1(%arg0: i32) -> (i32, i32) {
    %c0_i32 = arith.constant 0 : i32
    %c0_i32_0 = arith.constant 0 : i32
    %c0_i32_1 = arith.constant 0 : i32
    return %c0_i32, %c0_i32_0 : i32, i32
  }
  func.func @transform_2(%arg0: i32) -> (i32, i32) {
    %c0_i32 = arith.constant 0 : i32
    %c0_i32_0 = arith.constant 0 : i32
    return %arg0, %c0_i32 : i32, i32
  }
}

module attributes {stable_mosaic.version = 14 : i64} {
  func.func @_scale_body(%arg0: i32, %arg1: memref<1000x128xf32, #tpu.memory_space<vmem>>, %arg2: memref<2x1000x8xf32, #tpu.memory_space<vmem>>, %arg3: memref<1000x128xf32, #tpu.memory_space<vmem>>, %arg4: memref<1000x8xf32, #tpu.memory_space<vmem>>) attributes {dimension_semantics = [#tpu.dimension_semantics<arbitrary>], iteration_bounds = array<i64: 10>, scalar_prefetch = 0 : i64, scratch_operands = 0 : i64, tpu.core_type = #tpu.core_type<tc>, window_params = [{transform_indices = @transform_0, window_bounds = array<i64: 1000, 128>}, {transform_indices = @transform_1, window_bounds = array<i64: 2, 1000, 8>}, {transform_indices = @transform_2, window_bounds = array<i64: 1000, 128>}, {transform_indices = @transform_3, window_bounds = array<i64: 1000, 8>}]} {
    %get3A = arith.constant 0 : index
    %get3A_0 = arith.constant 0 : index
    %get3A_1 = arith.constant 0 : index
    %get3A_2 = vector.load %arg2[%get3A, %get3A_0, %get3A_1] : memref<2x1000x8xf32, #tpu.memory_space<vmem>>, vector<1x1000x1xf32>
    %get3A_3 = vector.shape_cast %get3A_2 : vector<1x1000x1xf32> to vector<1000x1xf32>
    %get3A_4 = arith.constant 1 : index
    %get3A_5 = arith.constant 0 : index
    %get3A_6 = arith.constant 0 : index
    %get3A_7 = vector.load %arg2[%get3A_4, %get3A_5, %get3A_6] : memref<2x1000x8xf32, #tpu.memory_space<vmem>>, vector<1x1000x1xf32>
    %get3A_8 = vector.shape_cast %get3A_7 : vector<1x1000x1xf32> to vector<1000x1xf32>
    %add3A = arith.addf %get3A_3, %get3A_8 : vector<1000x1xf32>
    %add3A_9 = arith.constant 1.000000e+00 : f32
    %add3A_10 = vector.broadcast %add3A_9 : f32 to vector<1000x1xf32>
    %add3A_11 = arith.addf %add3A, %add3A_10 : vector<1000x1xf32>
    %rsqrt3A = math.rsqrt %add3A_11 : vector<1000x1xf32>
    %get3A_12 = arith.constant 0 : index
    %get3A_13 = arith.constant 0 : index
    %get3A_14 = vector.load %arg1[%get3A_12, %get3A_13] : memref<1000x128xf32, #tpu.memory_space<vmem>>, vector<1000x128xf32>
    %mul3A = vector.broadcast %rsqrt3A : vector<1000x1xf32> to vector<1000x128xf32>
    %mul3A_15 = arith.mulf %get3A_14, %mul3A : vector<1000x128xf32>
    %swap3A = arith.constant 0 : index
    %swap3A_16 = arith.constant 0 : index
    %swap3A_17 = vector.load %arg3[%swap3A, %swap3A_16] : memref<1000x128xf32, #tpu.memory_space<vmem>>, vector<1000x128xf32>
    tpu.vector_store %arg3[%swap3A, %swap3A_16], %mul3A_15 {strides = array<i32>} : memref<1000x128xf32, #tpu.memory_space<vmem>>, vector<1000x128xf32>,
    %broadcast_in_dim3A = vector.shape_cast %rsqrt3A : vector<1000x1xf32> to vector<1000x1xf32>
    %broadcast_in_dim3A_18 = vector.broadcast %broadcast_in_dim3A : vector<1000x1xf32> to vector<1000x8xf32>
    %swap3A_19 = arith.constant 0 : index
    %swap3A_20 = arith.constant 0 : index
    %swap3A_21 = vector.load %arg4[%swap3A_19, %swap3A_20] : memref<1000x8xf32, #tpu.memory_space<vmem>>, vector<1000x8xf32>
    tpu.vector_store %arg4[%swap3A_19, %swap3A_20], %broadcast_in_dim3A_18 {strides = array<i32>} : memref<1000x8xf32, #tpu.memory_space<vmem>>, vector<1000x8xf32>,
    return
  }
  func.func @transform_0(%arg0: i32) -> (i32, i32) {
    %c0_i32 = arith.constant 0 : i32
    %c0_i32_0 = arith.constant 0 : i32
    return %arg0, %c0_i32 : i32, i32
  }
  func.func @transform_1(%arg0: i32) -> (i32, i32, i32) {
    %c0_i32 = arith.constant 0 : i32
    %c0_i32_0 = arith.constant 0 : i32
    %c0_i32_1 = arith.constant 0 : i32
    return %c0_i32, %arg0, %c0_i32_0 : i32, i32, i32
  }
  func.func @transform_2(%arg0: i32) -> (i32, i32) {
    %c0_i32 = arith.constant 0 : i32
    %c0_i32_0 = arith.constant 0 : i32
    return %arg0, %c0_i32 : i32, i32
  }
  func.func @transform_3(%arg0: i32) -> (i32, i32) {
    %c0_i32 = arith.constant 0 : i32
    %c0_i32_0 = arith.constant 0 : i32
    return %arg0, %c0_i32 : i32, i32
  }
}

module attributes {stable_mosaic.version = 14 : i64} {
  func.func @_bn2_body(%arg0: i32, %arg1: memref<1000x128xf32, #tpu.memory_space<vmem>>, %arg2: memref<8x128xf32, #tpu.memory_space<vmem>>, %arg3: memref<8x128xf32, #tpu.memory_space<vmem>>, %arg4: memref<1x128xf32, #tpu.memory_space<vmem>>, %arg5: memref<1x128xf32, #tpu.memory_space<vmem>>, %arg6: memref<1000x128xf32, #tpu.memory_space<vmem>>) attributes {dimension_semantics = [#tpu.dimension_semantics<arbitrary>], iteration_bounds = array<i64: 10>, scalar_prefetch = 0 : i64, scratch_operands = 0 : i64, tpu.core_type = #tpu.core_type<tc>, window_params = [{transform_indices = @transform_0, window_bounds = array<i64: 1000, 128>}, {pipeline_mode = #tpu.pipeline_mode<synchronous>, transform_indices = @transform_1, window_bounds = array<i64: 8, 128>}, {pipeline_mode = #tpu.pipeline_mode<synchronous>, transform_indices = @transform_2, window_bounds = array<i64: 8, 128>}, {pipeline_mode = #tpu.pipeline_mode<synchronous>, transform_indices = @transform_3, window_bounds = array<i64: 1, 128>}, {pipeline_mode = #tpu.pipeline_mode<synchronous>, transform_indices = @transform_4, window_bounds = array<i64: 1, 128>}, {transform_indices = @transform_5, window_bounds = array<i64: 1000, 128>}]} {
    %get3A = arith.constant 0 : index
    %get3A_0 = arith.constant 0 : index
    %get3A_1 = vector.load %arg2[%get3A, %get3A_0] : memref<8x128xf32, #tpu.memory_space<vmem>>, vector<1x128xf32>
    %mul3A = arith.constant 9.99999974E-5 : f32
    %mul3A_2 = vector.broadcast %mul3A : f32 to vector<1x128xf32>
    %mul3A_3 = arith.mulf %get3A_1, %mul3A_2 : vector<1x128xf32>
    %get3A_4 = arith.constant 0 : index
    %get3A_5 = arith.constant 0 : index
    %get3A_6 = vector.load %arg3[%get3A_4, %get3A_5] : memref<8x128xf32, #tpu.memory_space<vmem>>, vector<1x128xf32>
    %mul3A_7 = arith.constant 9.99999974E-5 : f32
    %mul3A_8 = vector.broadcast %mul3A_7 : f32 to vector<1x128xf32>
    %mul3A_9 = arith.mulf %get3A_6, %mul3A_8 : vector<1x128xf32>
    %mul3A_10 = arith.mulf %mul3A_3, %mul3A_3 : vector<1x128xf32>
    %sub3A = arith.subf %mul3A_9, %mul3A_10 : vector<1x128xf32>
    %add3A = arith.constant 9.99999974E-6 : f32
    %add3A_11 = vector.broadcast %add3A : f32 to vector<1x128xf32>
    %add3A_12 = arith.addf %sub3A, %add3A_11 : vector<1x128xf32>
    %rsqrt3A = math.rsqrt %add3A_12 : vector<1x128xf32>
    %get3A_13 = arith.constant 0 : index
    %get3A_14 = arith.constant 0 : index
    %get3A_15 = vector.load %arg4[%get3A_13, %get3A_14] : memref<1x128xf32, #tpu.memory_space<vmem>>, vector<1x128xf32>
    %mul3A_16 = arith.mulf %rsqrt3A, %get3A_15 : vector<1x128xf32>
    %get3A_17 = arith.constant 0 : index
    %get3A_18 = arith.constant 0 : index
    %get3A_19 = vector.load %arg1[%get3A_17, %get3A_18] : memref<1000x128xf32, #tpu.memory_space<vmem>>, vector<1000x128xf32>
    %sub3A_20 = vector.broadcast %mul3A_3 : vector<1x128xf32> to vector<1000x128xf32>
    %sub3A_21 = arith.subf %get3A_19, %sub3A_20 : vector<1000x128xf32>
    %mul3A_22 = vector.broadcast %mul3A_16 : vector<1x128xf32> to vector<1000x128xf32>
    %mul3A_23 = arith.mulf %sub3A_21, %mul3A_22 : vector<1000x128xf32>
    %get3A_24 = arith.constant 0 : index
    %get3A_25 = arith.constant 0 : index
    %get3A_26 = vector.load %arg5[%get3A_24, %get3A_25] : memref<1x128xf32, #tpu.memory_space<vmem>>, vector<1x128xf32>
    %add3A_27 = vector.broadcast %get3A_26 : vector<1x128xf32> to vector<1000x128xf32>
    %add3A_28 = arith.addf %mul3A_23, %add3A_27 : vector<1000x128xf32>
    %max3A = arith.constant 0.000000e+00 : f32
    %max3A_29 = vector.broadcast %max3A : f32 to vector<1000x128xf32>
    %max3A_30 = arith.maximumf %add3A_28, %max3A_29 : vector<1000x128xf32>
    %swap3A = arith.constant 0 : index
    %swap3A_31 = arith.constant 0 : index
    %swap3A_32 = vector.load %arg6[%swap3A, %swap3A_31] : memref<1000x128xf32, #tpu.memory_space<vmem>>, vector<1000x128xf32>
    tpu.vector_store %arg6[%swap3A, %swap3A_31], %max3A_30 {strides = array<i32>} : memref<1000x128xf32, #tpu.memory_space<vmem>>, vector<1000x128xf32>,
    return
  }
  func.func @transform_0(%arg0: i32) -> (i32, i32) {
    %c0_i32 = arith.constant 0 : i32
    %c0_i32_0 = arith.constant 0 : i32
    return %arg0, %c0_i32 : i32, i32
  }
  func.func @transform_1(%arg0: i32) -> (i32, i32) {
    %c0_i32 = arith.constant 0 : i32
    %c0_i32_0 = arith.constant 0 : i32
    %c0_i32_1 = arith.constant 0 : i32
    return %c0_i32, %c0_i32_0 : i32, i32
  }
  func.func @transform_2(%arg0: i32) -> (i32, i32) {
    %c0_i32 = arith.constant 0 : i32
    %c0_i32_0 = arith.constant 0 : i32
    %c0_i32_1 = arith.constant 0 : i32
    return %c0_i32, %c0_i32_0 : i32, i32
  }
  func.func @transform_3(%arg0: i32) -> (i32, i32) {
    %c0_i32 = arith.constant 0 : i32
    %c0_i32_0 = arith.constant 0 : i32
    %c0_i32_1 = arith.constant 0 : i32
    return %c0_i32, %c0_i32_0 : i32, i32
  }
  func.func @transform_4(%arg0: i32) -> (i32, i32) {
    %c0_i32 = arith.constant 0 : i32
    %c0_i32_0 = arith.constant 0 : i32
    %c0_i32_1 = arith.constant 0 : i32
    return %c0_i32, %c0_i32_0 : i32, i32
  }
  func.func @transform_5(%arg0: i32) -> (i32, i32) {
    %c0_i32 = arith.constant 0 : i32
    %c0_i32_0 = arith.constant 0 : i32
    return %arg0, %c0_i32 : i32, i32
  }
}

module attributes {stable_mosaic.version = 14 : i64} {
  func.func @_bn1_body(%arg0: i32, %arg1: memref<2x1000x128xf32, #tpu.memory_space<vmem>>, %arg2: memref<1000x128xf32, #tpu.memory_space<vmem>>, %arg3: memref<1000x8xf32, #tpu.memory_space<vmem>>, %arg4: memref<1000x128xf32, #tpu.memory_space<vmem>>, %arg5: memref<8x128xf32, #tpu.memory_space<vmem>>, %arg6: memref<8x128xf32, #tpu.memory_space<vmem>>) attributes {dimension_semantics = [#tpu.dimension_semantics<arbitrary>], iteration_bounds = array<i64: 10>, scalar_prefetch = 0 : i64, scratch_operands = 0 : i64, tpu.core_type = #tpu.core_type<tc>, window_params = [{transform_indices = @transform_0, window_bounds = array<i64: 2, 1000, 128>}, {transform_indices = @transform_1, window_bounds = array<i64: 1000, 128>}, {transform_indices = @transform_2, window_bounds = array<i64: 1000, 8>}, {transform_indices = @transform_3, window_bounds = array<i64: 1000, 128>}, {pipeline_mode = #tpu.pipeline_mode<synchronous>, transform_indices = @transform_4, window_bounds = array<i64: 8, 128>}, {pipeline_mode = #tpu.pipeline_mode<synchronous>, transform_indices = @transform_5, window_bounds = array<i64: 8, 128>}]} {
    %get3A = arith.constant 0 : index
    %get3A_0 = arith.constant 0 : index
    %get3A_1 = arith.constant 0 : index
    %get3A_2 = vector.load %arg1[%get3A, %get3A_0, %get3A_1] : memref<2x1000x128xf32, #tpu.memory_space<vmem>>, vector<1x1000x128xf32>
    %get3A_3 = vector.shape_cast %get3A_2 : vector<1x1000x128xf32> to vector<1000x128xf32>
    %get3A_4 = arith.constant 1 : index
    %get3A_5 = arith.constant 0 : index
    %get3A_6 = arith.constant 0 : index
    %get3A_7 = vector.load %arg1[%get3A_4, %get3A_5, %get3A_6] : memref<2x1000x128xf32, #tpu.memory_space<vmem>>, vector<1x1000x128xf32>
    %get3A_8 = vector.shape_cast %get3A_7 : vector<1x1000x128xf32> to vector<1000x128xf32>
    %add3A = arith.addf %get3A_3, %get3A_8 : vector<1000x128xf32>
    %get3A_9 = arith.constant 0 : index
    %get3A_10 = arith.constant 0 : index
    %get3A_11 = vector.load %arg2[%get3A_9, %get3A_10] : memref<1000x128xf32, #tpu.memory_space<vmem>>, vector<1000x128xf32>
    %add3A_12 = arith.addf %add3A, %get3A_11 : vector<1000x128xf32>
    %get3A_13 = arith.constant 0 : index
    %get3A_14 = arith.constant 0 : index
    %get3A_15 = vector.load %arg3[%get3A_13, %get3A_14] : memref<1000x8xf32, #tpu.memory_space<vmem>>, vector<1000x1xf32>
    %mul3A = vector.broadcast %get3A_15 : vector<1000x1xf32> to vector<1000x128xf32>
    %mul3A_16 = arith.mulf %add3A_12, %mul3A : vector<1000x128xf32>
    %swap3A = arith.constant 0 : index
    %swap3A_17 = arith.constant 0 : index
    %swap3A_18 = vector.load %arg4[%swap3A, %swap3A_17] : memref<1000x128xf32, #tpu.memory_space<vmem>>, vector<1000x128xf32>
    tpu.vector_store %arg4[%swap3A, %swap3A_17], %mul3A_16 {strides = array<i32>} : memref<1000x128xf32, #tpu.memory_space<vmem>>, vector<1000x128xf32>,
    %eq3A = arith.constant 0 : i32
    %eq3A_19 = arith.cmpi eq, %arg0, %eq3A : i32
    %convert_element_type3A = arith.extui %eq3A_19 : i1 to i32
    %cond3A = arith.constant 0 : i32
    %cond3A_20 = arith.cmpi ne, %convert_element_type3A, %cond3A : i32
    scf.if %cond3A_20 {
      %broadcast_in_dim3A_44 = arith.constant 0.000000e+00 : f32
      %broadcast_in_dim3A_45 = vector.broadcast %broadcast_in_dim3A_44 : f32 to vector<8x128xf32>
      %swap3A_46 = arith.constant 0 : index
      %swap3A_47 = arith.constant 0 : index
      %swap3A_48 = vector.load %arg5[%swap3A_46, %swap3A_47] : memref<8x128xf32, #tpu.memory_space<vmem>>, vector<8x128xf32>
      tpu.vector_store %arg5[%swap3A_46, %swap3A_47], %broadcast_in_dim3A_45 {strides = array<i32>} : memref<8x128xf32, #tpu.memory_space<vmem>>, vector<8x128xf32>,
      %broadcast_in_dim3A_49 = arith.constant 0.000000e+00 : f32
      %broadcast_in_dim3A_50 = vector.broadcast %broadcast_in_dim3A_49 : f32 to vector<8x128xf32>
      %swap3A_51 = arith.constant 0 : index
      %swap3A_52 = arith.constant 0 : index
      %swap3A_53 = vector.load %arg6[%swap3A_51, %swap3A_52] : memref<8x128xf32, #tpu.memory_space<vmem>>, vector<8x128xf32>
      tpu.vector_store %arg6[%swap3A_51, %swap3A_52], %broadcast_in_dim3A_50 {strides = array<i32>} : memref<8x128xf32, #tpu.memory_space<vmem>>, vector<8x128xf32>,
    } else {
    }
    %reduce_sum3A = arith.constant dense<0.000000e+00> : vector<128xf32>
    %reduce_sum3A_21 = vector.multi_reduction <add>, %mul3A_16, %reduce_sum3A [0] : vector<1000x128xf32> to vector<128xf32>
    %broadcast_in_dim3A = vector.shape_cast %reduce_sum3A_21 : vector<128xf32> to vector<1x128xf32>
    %mul3A_22 = arith.mulf %mul3A_16, %mul3A_16 : vector<1000x128xf32>
    %reduce_sum3A_23 = arith.constant dense<0.000000e+00> : vector<128xf32>
    %reduce_sum3A_24 = vector.multi_reduction <add>, %mul3A_22, %reduce_sum3A_23 [0] : vector<1000x128xf32> to vector<128xf32>
    %broadcast_in_dim3A_25 = vector.shape_cast %reduce_sum3A_24 : vector<128xf32> to vector<1x128xf32>
    %get3A_26 = arith.constant 0 : index
    %get3A_27 = arith.constant 0 : index
    %get3A_28 = vector.load %arg5[%get3A_26, %get3A_27] : memref<8x128xf32, #tpu.memory_space<vmem>>, vector<8x128xf32>
    %broadcast_in_dim3A_29 = vector.shape_cast %broadcast_in_dim3A : vector<1x128xf32> to vector<1x128xf32>
    %broadcast_in_dim3A_30 = vector.broadcast %broadcast_in_dim3A_29 : vector<1x128xf32> to vector<8x128xf32>
    %add3A_31 = arith.addf %get3A_28, %broadcast_in_dim3A_30 : vector<8x128xf32>
    %swap3A_32 = arith.constant 0 : index
    %swap3A_33 = arith.constant 0 : index
    %swap3A_34 = vector.load %arg5[%swap3A_32, %swap3A_33] : memref<8x128xf32, #tpu.memory_space<vmem>>, vector<8x128xf32>
    tpu.vector_store %arg5[%swap3A_32, %swap3A_33], %add3A_31 {strides = array<i32>} : memref<8x128xf32, #tpu.memory_space<vmem>>, vector<8x128xf32>,
    %get3A_35 = arith.constant 0 : index
    %get3A_36 = arith.constant 0 : index
    %get3A_37 = vector.load %arg6[%get3A_35, %get3A_36] : memref<8x128xf32, #tpu.memory_space<vmem>>, vector<8x128xf32>
    %broadcast_in_dim3A_38 = vector.shape_cast %broadcast_in_dim3A_25 : vector<1x128xf32> to vector<1x128xf32>
    %broadcast_in_dim3A_39 = vector.broadcast %broadcast_in_dim3A_38 : vector<1x128xf32> to vector<8x128xf32>
    %add3A_40 = arith.addf %get3A_37, %broadcast_in_dim3A_39 : vector<8x128xf32>
    %swap3A_41 = arith.constant 0 : index
    %swap3A_42 = arith.constant 0 : index
    %swap3A_43 = vector.load %arg6[%swap3A_41, %swap3A_42] : memref<8x128xf32, #tpu.memory_space<vmem>>, vector<8x128xf32>
    tpu.vector_store %arg6[%swap3A_41, %swap3A_42], %add3A_40 {strides = array<i32>} : memref<8x128xf32, #tpu.memory_space<vmem>>, vector<8x128xf32>,
    return
  }
  func.func @transform_0(%arg0: i32) -> (i32, i32, i32) {
    %c0_i32 = arith.constant 0 : i32
    %c0_i32_0 = arith.constant 0 : i32
    %c0_i32_1 = arith.constant 0 : i32
    return %c0_i32, %arg0, %c0_i32_0 : i32, i32, i32
  }
  func.func @transform_1(%arg0: i32) -> (i32, i32) {
    %c0_i32 = arith.constant 0 : i32
    %c0_i32_0 = arith.constant 0 : i32
    return %arg0, %c0_i32 : i32, i32
  }
  func.func @transform_2(%arg0: i32) -> (i32, i32) {
    %c0_i32 = arith.constant 0 : i32
    %c0_i32_0 = arith.constant 0 : i32
    return %arg0, %c0_i32 : i32, i32
  }
  func.func @transform_3(%arg0: i32) -> (i32, i32) {
    %c0_i32 = arith.constant 0 : i32
    %c0_i32_0 = arith.constant 0 : i32
    return %arg0, %c0_i32 : i32, i32
  }
  func.func @transform_4(%arg0: i32) -> (i32, i32) {
    %c0_i32 = arith.constant 0 : i32
    %c0_i32_0 = arith.constant 0 : i32
    %c0_i32_1 = arith.constant 0 : i32
    return %c0_i32, %c0_i32_0 : i32, i32
  }
  func.func @transform_5(%arg0: i32) -> (i32, i32) {
    %c0_i32 = arith.constant 0 : i32
    %c0_i32_0 = arith.constant 0 : i32
    %c0_i32_1 = arith.constant 0 : i32
    return %c0_i32, %c0_i32_0 : i32, i32
  }
}

</mosaic_0001>

<sc_bundles>
// kernel: kernel.11.cloned.1.call-start
scs
__scs_entry_jumppad:
0x0: {  	(pc) =	sbr.rel $0x88, $3  }
0x1: {  	(tag) =	ssettag $0x0;
	lr =	simm.s32 $0x1  }
0x2: {  	[smem:$0x3F9C] =	sst lr;
	_ =	strace $0xD0000000  }
0x3: {  	_ = 	snop  }
0x4: {  	_ = 	snop  }
0x5: {  	_ = 	snop  }
0x6: {  	_ = 	snop  }
0x7: {  	_ = 	snop  }
__scs_overlays_trampoline_lowered:
0x8: {  	[smem:$0x3FAB] =	sst s0  }
0x9: {  	[smem:$0x3FAC] =	sst s1  }
0xa: {  	[smem:$0x3FAD] =	sst s2  }
0xb: {  	[smem:$0x3FAE] =	sst s3  }
0xc: {  	[smem:$0x3FAF] =	sst s4  }
0xd: {  	[smem:$0x3FB0] =	sst s5  }
0xe: {  	[smem:$0x3FB1] =	sst s6  }
0xf: {  	[smem:$0x3FB2] =	sst s7  }
0x10: {  	[smem:$0x3FB3] =	sst s8  }
0x11: {  	[smem:$0x3FB4] =	sst s9;
	s0 =	simm.s32 @!p0 $0x0  }
0x12: {  	s1 =	sld [smem:$0x3F9A];
	s0 =	simm.s32 @p0 $0x1  }
0x13: {  	[smem:$0x3FB5] =	sst s0;
	s0 =	simm.s32 @!p1 $0x0  }
0x14: {  	s2 =	sld [smem:$0x3F99];
	s0 =	simm.s32 @p1 $0x1  }
0x15: {  	[smem:$0x3FB6] =	sst s0;
	s0 =	simm.s32 @!p2 $0x0  }
0x16: {  	s3 =	sld [smem:$0x3FDB];
	s0 =	simm.s32 @p2 $0x1  }
0x17: {  	s4 =	simm.s32 $0x1BF5;
	[smem:$0x3FB8] =	sst s0  }
0x18: {  	s0 =	sld [smem:$0x3F9B];
	_ =	swait.ge [sflag:s4], $0x0  }
0x19: {  	s7 =	sld [smem:$0x3F9C]  }
0x1a: {  	s8 =	sadd.s32 $0xFFFFE003, lr  }
0x1b: {  	s9 =	sadd.s32 $0xFFFFFEF7, lr;
	s5 =	simm.s32 $0xFFFFFFFF;
	p2 =	slt.u32 s8, $0xFFFFF086  }
0x1c: {  	p1 =	slt.u32 s9, $0xF7A;
	s5 =	simm.s32 @!p2 $0x0  }
0x1d: {  	s5 =	simm.s32 @p1 $0x1;
	p0 =	seq.s32 s7, s2  }
0x1e: {  	s7 =	smul.u32 @!p0 $0xF7A, s2;
	p2 =	seq.s32 @!p0 s5, $0x0  }
0x1f: {  	s9 =	smul.u32 $0xF7A, s1;
	s8 =	simm.s32 @!p0 $0x1BF5;
	p2 =	por !p2, p0  }
0x20: {  	[sflag:s8] =	ssyncset.s32 @!p0 $0xFFFFF086;
	s6 =	sadd.s32 @!p0 s3, s7;
	s7 =	simm.s32 @!p0 $0x108  }
0x21: {  	s3 =	sadd.s32 s3, s9;
	s6 =	sadd.s32 @!p0 $0x88, s6;
	s7 =	simm.s32 @p2 $0x1082  }
0x22: {  	[simem:s7], [sflag:s8] =	dma.local @!p0 [hbm:s6], $0xF7A  }
0x23: {  	s9 =	sor.u32 $0xD0000000, s2;
	s6 =	simm.s32 $0x108;
	_ =	swait.ge @!p0 [sflag:s8], $0x0  }
0x24: {  	s3 =	sadd.s32 $0x88, s3;
	s6 =	simm.s32 @!p1 $0x1082;
	[sflag:s4] =	ssyncset.s32 $0xFFFFF086  }
0x25: {  	[simem:s6], [sflag:s4] =	dma.local [hbm:s3], $0xF7A  }
0x26: {  	[smem:$0x3F9C] =	sst s1;
	(tag) =	ssettag s2;
	_ =	strace s9  }
0x27: {  	s1 =	sld [smem:$0x3FAC]  }
0x28: {  	s2 =	sld [smem:$0x3FAD]  }
0x29: {  	s4 =	sld [smem:$0x3FAF]  }
0x2a: {  	p0 =	seq.s32 s5, $0x0;
	s5 =	sld [smem:$0x3FB0]  }
0x2b: {  	s6 =	sld [smem:$0x3FB1]  }
0x2c: {  	s7 =	sld [smem:$0x3FB2]  }
0x2d: {  	s3 =	simm.s32 $0x108;
	s8 =	sld [smem:$0x3FB3]  }
0x2e: {  	s3 =	simm.s32 @!p0 $0x1082;
	s9 =	sld [smem:$0x3FB4]  }
0x2f: {  	lr =	sadd.s32 s0, s3;
	s0 =	sld [smem:$0x3FAB]  }
0x30: {  	s3 =	sld [smem:$0x3FAE]  }
0x31: {  	[smem:$0x3FB7] =	sst s10  }
0x32: {  	s10 =	sld [smem:$0x3FB5];
	_ =	sdelay $0x3  }
0x33: {  	p0 =	seq.s32 s10, $0x1;
	s10 =	sld [smem:$0x3FB7];
	_ =	sdelay $0x3  }
0x34: {  	[smem:$0x3FB7] =	sst s10  }
0x35: {  	s10 =	sld [smem:$0x3FB6];
	_ =	sdelay $0x3  }
0x36: {  	p1 =	seq.s32 s10, $0x1;
	s10 =	sld [smem:$0x3FB7];
	_ =	sdelay $0x3  }
0x37: {  	[smem:$0x3FB7] =	sst s10  }
0x38: {  	s10 =	sld [smem:$0x3FB8]  }
0x39: {  	_ = 	snop;
	(pc) =	sbr.ind lr, $3  }
0x3a: {  	_ = 	snop  }
0x3b: {  	_ = 	snop  }
0x3c: {  	p2 =	seq.s32 s10, $0x1;
	s10 =	sld [smem:$0x3FB7]  }
0x3d: {  	_ =	shalt  }
0x3e: {  	_ =	shalt  }
0x3f: {  	_ =	shalt  }
0x40: {  	_ =	shalt  }
0x41: {  	_ =	shalt  }
0x42: {  	_ =	shalt  }
0x43: {  	_ =	shalt  }
0x44: {  	_ =	shalt  }
0x45: {  	_ =	shalt  }
0x46: {  	_ =	shalt  }
0x47: {  	_ =	shalt  }
0x48: {  	_ =	shalt  }
0x49: {  	_ =	shalt  }
0x4a: {  	_ =	shalt  }
0x4b: {  	_ =	shalt  }
0x4c: {  	_ =	shalt  }
0x4d: {  	_ =	shalt  }
0x4e: {  	_ =	shalt  }
0x4f: {  	_ =	shalt  }
0x50: {  	_ =	shalt  }
0x51: {  	_ =	shalt  }
0x52: {  	_ =	shalt  }
0x53: {  	_ =	shalt  }
0x54: {  	_ =	shalt  }
0x55: {  	_ =	shalt  }
0x56: {  	_ =	shalt  }
0x57: {  	_ =	shalt  }
0x58: {  	_ =	shalt  }
0x59: {  	_ =	shalt  }
0x5a: {  	_ =	shalt  }
0x5b: {  	_ =	shalt  }
0x5c: {  	_ =	shalt  }
0x5d: {  	_ =	shalt  }
0x5e: {  	_ =	shalt  }
0x5f: {  	_ =	shalt  }
0x60: {  	_ =	shalt  }
0x61: {  	_ =	shalt  }
0x62: {  	_ =	shalt  }
0x63: {  	_ =	shalt  }
0x64: {  	_ =	shalt  }
0x65: {  	_ =	shalt  }
0x66: {  	_ =	shalt  }
0x67: {  	_ =	shalt  }
0x68: {  	_ =	shalt  }
0x69: {  	_ =	shalt  }
0x6a: {  	_ =	shalt  }
0x6b: {  	_ =	shalt  }
0x6c: {  	_ =	shalt  }
0x6d: {  	_ =	shalt  }
0x6e: {  	_ =	shalt  }
0x6f: {  	_ =	shalt  }
0x70: {  	_ =	shalt  }
0x71: {  	_ =	shalt  }
0x72: {  	_ =	shalt  }
0x73: {  	_ =	shalt  }
0x74: {  	_ =	shalt  }
0x75: {  	_ =	shalt  }
0x76: {  	_ =	shalt  }
0x77: {  	_ =	shalt  }
0x78: {  	_ =	shalt  }
0x79: {  	_ =	shalt  }
0x7a: {  	_ =	shalt  }
0x7b: {  	_ =	shalt  }
0x7c: {  	_ =	shalt  }
0x7d: {  	_ =	shalt  }
0x7e: {  	_ =	shalt  }
0x7f: {  	_ =	shalt  }
0x80: {  	_ =	shalt  }
0x81: {  	_ =	shalt  }
0x82: {  	_ =	shalt  }
0x83: {  	_ =	shalt  }
0x84: {  	_ =	shalt  }
0x85: {  	_ =	shalt  }
0x86: {  	_ =	shalt  }
0x87: {  	_ =	shalt  }
.Lfunc_end0:
.L_simem_size_0:
called_computation.1_lowered:
.L_overlay_start_0:
0x88: {  	s2 =	sld [smem:$0x3FD9]  }
0x89: {  	s3 =	sld [smem:$0x3FFE];
	_ =	sdelay $0x1  }
0x8a: {  	s1 =	srdreg.scid  }
0x8b: {  	s0 =	sand.u32 $0x1, s1  }
0x8c: {  	s17 =	sshll.u32 s0, $0xA;
	s2 =	sadd.s32 s3, s2  }
0x8d: {  	s2 =	sadd.s32 s2, s17  }
0x8e: {  	[smem:$0x3FC3] =	sst s2  }
0x8f: {  	_ = 	snop  }
0x90: {  	s2 =	sld [smem:$0x3FD0];
	(tm) =	ssettm $0x1  }
0x91: {  	s18 =	sld [smem:$0x3FFB];
	_ =	sdelay $0x3  }
0x92: {  	_ =	strace s18  }
0x93: {  	s3 =	sld [smem:$0x3FFC];
	_ =	sdelay $0x3  }
0x94: {  	_ =	strace s3  }
0x95: {  	s3 =	sld [smem:$0x3FFD];
	_ =	sdelay $0x3  }
0x96: {  	_ =	strace s3  }
0x97: {  	_ =	strace $0x8FFFFFFF  }
0x98: {  	s19 =	sld [smem:$0x3FDB];
	_ =	sdelay $0x1  }
0x99: {  	s4 =	simm.s32 $_scs_section_size  }
0x9a: {  	s5 =	simm.s32 $_size__tile_overlayer_lowered;
	s6 =	simm.s32 $_tile_overlayer_lowered  }
0x9b: {  	s22 =	simm.s32 $0x1BFF;
	s21 =	sshll.u32 s6, $0x1;
	s3 =	sadd.s32 s4, s19  }
0x9c: {  	s7 =	simm.s32 $0x0;
	s20 =	sshll.u32 s5, $0x1;
	s5 =	sadd.s32 s21, s3  }
0x9d: {  	[timem:s7], [sflag:s22] =	dma.local [hbm:s5], s20  }
0x9e: {  	_ =	swait.ge [sflag:s22], s20  }
0x9f: {  	s4 =	ssub.s32 $0x0, s20;
	[sflag:s22] =	ssyncset.done $0x0  }
0xa0: {  	[sflag:s22] =	ssyncadd.s32 s4;
	_ =	sdelay $0x1  }
0xa1: {  	s23 =	simm.s32 $0x1B8B  }
0xa2: {  	_ =	swait.ge [sflag:s23], $0x1  }
0xa3: {  	[sflag:s23] =	ssyncset.done $0x0  }
0xa4: {  	s25 =	simm.s32 $0x1B8E;
	s24 =	sld [smem:$0x3FFE];
	[sflag:s23] =	ssyncadd.s32 $0xFFFFFFFF  }
0xa5: {  	s26 =	simm.s32 $execute0_lowered;
	[smem:$0x3FD2] =	sst s25  }
0xa6: {  	s5 =	sshll.u32 s26, $0x1;
	_ =	strace $0x80000049;
	[dreg:$0x1] =	wrdreg $0xFFFFFFFF  }
0xa7: {  	s28 =	simm.s32 $_size_execute0_lowered;
	s3 =	sadd.s32 s3, s5;
	[dreg:$0x0] =	wrdreg $0x0  }
0xa8: {  	s5 =	sshll.u32 s28, $0x1;
	[dreg:$0x2] =	wrdreg s3  }
0xa9: {  	[dreg:$0x3] =	wrdreg s5  }
0xaa: {  	[dreg:$0x4] =	wrdreg $0xC0  }
0xab: {  	_ =	task [dreg:s7], $0x5FFFF  }
0xac: {  	[dreg:$0x1] =	wrdreg $0xFFFFFFFF  }
0xad: {  	[dreg:$0x0] =	wrdreg $0x60  }
0xae: {  	[dreg:$0x2] =	wrdreg s2  }
0xaf: {  	[dreg:$0x3] =	wrdreg s24  }
0xb0: {  	[dreg:$0x4] =	wrdreg $0xA5000  }
0xb1: {  	[dreg:$0x5] =	wrdreg $0x9  }
0xb2: {  	_ =	task.clear_ibuf [dreg:s7], $0x6FFFF;
	_ =	strace $0x90000049  }
0xb3: {  	s29 =	simm.s32 $0x9;
	_ =	strace $0x8000004B  }
0xb4: {  	_ =	swait.ge [sflag:s29], $0x1  }
0xb5: {  	[sflag:s29] =	ssyncadd.s32 $0xFFFFFFFF  }
0xb6: {  	_ =	strace $0x9000004B  }
0xb7: {  	_ =	sfence  }
0xb8: {  	s30 =	sld [smem:$0x0];
	_ =	sdelay $0x2  }
0xb9: {  	s31 =	sshll.u32 s1, $0xD;
	s1 =	sshrl.u32 s1, $0x2  }
0xba: {  	s3 =	sand.u32 $0x4000, s31;
	s1 =	sadd.s32 s1, s30  }
0xbb: {  	s0 =	sor.u32 s3, s0;
	s1 =	sshll.u32 s1, $0x11  }
0xbc: {  	s0 =	sor.u32 s1, s0  }
0xbd: {  	s0 =	sadd.s32 $0x8F2B, s0  }
0xbe: {  	[sflag:s0] =	ssyncadd.remote.s32 $0x1  }
0xbf: {  	_ =	sfence.sel $0xFFFF  }
0xc0: {  	[dreg:$0x0] =	wrdreg $0xFFFFFFFF;
	(pc) =	sbr.abs _section_cstart, $3  }
0xc1: {  	[dreg:$0x1] =	wrdreg $0xFFFFFFFF  }
0xc2: {  	_ =	task.clear_ibuf [dreg:s7], $0x2FFFF;
	_ =	strace $0x9FFFFFFF  }
0xc3: {  	(tm) =	ssettm $0x7FFFFFFF  }
tec
execute0_lowered:
.L_overlay_start_1:
0x0: {  	(tag) =	ssettag $0x1  }
0x1: {  	s1 =	rddreg [dreg:$0x0]  }
0x2: {  	s0 =	rddreg [dreg:$0x1]  }
0x3: {  	s2 =	rddreg [dreg:$0x2];
	s3 =	simm.s32 $0x0;
	s5 =	srdreg.scid  }
0x4: {  	s9 =	stileid.u32;
	s28 =	simm.s32 $0x6680;
	s29 =	simm.s32 $0x1  }
0x5: {  	s30 =	simm.s32 $0x2;
	s31 =	simm.s32 $0x1380;
	[smem:$0x7FF] =	sst s3  }
0x6: {  	s4 =	sadd.s32 $0xC200, s0;
	s12 =	sadd.s32 $0x1C00, s0;
	s5 =	sand.u32 $0x1, s5  }
0x7: {  	s6 =	sadd.s32 $0x16200, s0;
	s13 =	smul.u32 $0x14000, s9;
	s0 =	sadd.s32 $0x16A00, s0  }
0x8: {  	_ =	strace $0x8000004A;
	[dreg:$0x4] =	wrdreg s6;
	s25 =	ssub.s32 $0x2, s5  }
0x9: {  	s8 =	sshll.u32 s5, $0x4;
	s5 =	smul.u32 $0x140000, s5;
	s7 =	sshrl.u32 s25, $0x1  }
0xa: {  	s9 =	sor.u32 s9, s8;
	s16 =	sor.u32 $0x3C00, s13;
	s6 =	sadd.s32 s13, s2  }
0xb: {  	s17 =	sadd.s32 $0x7800, s13;
	s19 =	sadd.s32 $0xB400, s13;
	s20 =	sadd.s32 $0xF000, s13  }
0xc: {  	s21 =	sadd.s32 $0x12C00, s13;
	s22 =	ssub.s32 s25, s7;
	s7 =	sadd.s32 s16, s2  }
0xd: {  	s8 =	sadd.s32 s17, s2;
	s14 =	smul.u32 $0x2800, s9;
	s9 =	sadd.s32 s19, s2  }
0xe: {  	s10 =	sadd.s32 s20, s2;
	s11 =	sadd.s32 s21, s2;
	s18 =	sadd.s32 s13, s5  }
0xf: {  	s23 =	sadd.s32 s5, s16;
	s24 =	sadd.s32 s5, s17;
	s14 =	sshrl.u32 s14, $0x3  }
0x10: {  	s25 =	sadd.s32 s5, s19;
	s13 =	sshrl.u32 s24, $0x3;
	s15 =	sadd.s32 s4, s14  }
0x11: {  	s26 =	sadd.s32 $0x280, s14;
	s14 =	sadd.s32 s12, s14;
	[dreg:$0x5] =	wrdreg s15  }
0x12: {  	s22 =	smax.u32 s22, $0x1;
	s24 =	simm.s32 $0x3;
	[dreg:$0x6] =	wrdreg s14  }
0x13: {  	s4 =	sadd.s32 s4, s26;
	s15 =	sadd.s32 s12, s26;
	s12 =	sshrl.u32 s23, $0x3  }
0x14: {  	s26 =	sadd.s32 s5, s20;
	s5 =	sadd.s32 s5, s21;
	[dreg:$0x7] =	wrdreg s4  }
0x15: {  	s23 =	simm.s32 $0x2800;
	[dreg:$0x8] =	wrdreg s15;
	s4 =	sshrl.u32 s18, $0x3  }
0x16: {  	s17 =	sadd.s32 s0, s12;
	s18 =	sadd.s32 s0, s13;
	s12 =	sshrl.u32 s26, $0x3  }
0x17: {  	s5 =	sshrl.u32 s5, $0x3;
	s26 =	simm.s32 $0x7D;
	s4 =	sadd.s32 s0, s4  }
0x18: {  	s20 =	sadd.s32 s0, s12;
	s21 =	sadd.s32 s0, s5;
	s5 =	simm.s32 $0x0  }
0x19: {  	[dreg:$0x9] =	wrdreg s4;
	s4 =	sshrl.u32 s25, $0x3;
	s25 =	simm.s32 $0x1400  }
0x1a: {  	s19 =	sadd.s32 s0, s4;
	s0 =	simm.s32 $0x2700;
	s4 =	simm.s32 $0x2780  }
.LBB2_1:
0x1b: {  	s12 =	rddreg [dreg:$0x4]  }
0x1c: {  	[tilespmem:s23], [sflag:$0x3] =	stream.linear.gather [hbm4b:s12+s3], $0x3C00, $0x38;
	[tilespmem:$0x1E500] =	vst v63  }
0x1d: {  	_ =	swait.ge [sflag:s24], $0x3C00  }
0x1e: {  	[sflag:s24] =	ssyncset.done $0x0  }
0x1f: {  	[sflag:s24] =	ssyncadd.s32 $0xFFFFC400  }
0x20: {  	[spmem:s6] =	stream.linear.scatter [tilespmem:s23], [sflag:$0x3], $0x3C00, $0x38;
	[tilespmem:$0x1E500] =	vst v63  }
0x21: {  	_ =	swait.ge [sflag:s24], $0x3C00  }
0x22: {  	[sflag:s24] =	ssyncset.done $0x0  }
0x23: {  	[sflag:s24] =	ssyncadd.s32 $0xFFFFC400  }
0x24: {  	[spmem:s7] =	stream.linear.scatter [tilespmem:s23], [sflag:$0x3], $0x3C00, $0x38;
	[tilespmem:$0x1E500] =	vst v63  }
0x25: {  	_ =	swait.ge [sflag:s24], $0x3C00  }
0x26: {  	[sflag:s24] =	ssyncset.done $0x0  }
0x27: {  	[sflag:s24] =	ssyncadd.s32 $0xFFFFC400  }
0x28: {  	[spmem:s8] =	stream.linear.scatter [tilespmem:s23], [sflag:$0x3], $0x3C00, $0x38;
	[tilespmem:$0x1E500] =	vst v63  }
0x29: {  	_ =	swait.ge [sflag:s24], $0x3C00  }
0x2a: {  	[sflag:s24] =	ssyncset.done $0x0  }
0x2b: {  	[sflag:s24] =	ssyncadd.s32 $0xFFFFC400  }
0x2c: {  	[spmem:s9] =	stream.linear.scatter [tilespmem:s23], [sflag:$0x3], $0x3C00, $0x38;
	[tilespmem:$0x1E500] =	vst v63  }
0x2d: {  	_ =	swait.ge [sflag:s24], $0x3C00  }
0x2e: {  	[sflag:s24] =	ssyncset.done $0x0  }
0x2f: {  	[sflag:s24] =	ssyncadd.s32 $0xFFFFC400  }
0x30: {  	[spmem:s10] =	stream.linear.scatter [tilespmem:s23], [sflag:$0x3], $0x3C00, $0x38;
	[tilespmem:$0x1E500] =	vst v63  }
0x31: {  	_ =	swait.ge [sflag:s24], $0x3C00  }
0x32: {  	[sflag:s24] =	ssyncset.done $0x0  }
0x33: {  	[sflag:s24] =	ssyncadd.s32 $0xFFFFC400  }
0x34: {  	[spmem:s11] =	stream.linear.scatter [tilespmem:s23], [sflag:$0x3], $0x1400, $0x38;
	[tilespmem:$0x1E500] =	vst v63  }
0x35: {  	_ =	swait.ge [sflag:s24], $0x1400  }
0x36: {  	[sflag:s24] =	ssyncset.done $0x0  }
0x37: {  	[sflag:s24] =	ssyncadd.s32 $0xFFFFEC00  }
0x38: {  	[bflag:$0x0] =	sbarrier.arrive $0xFFFF  }
0x39: {  	s15 =	rddreg [dreg:$0x5]  }
0x3a: {  	[tilespmem:s3], [sflag:$0x3] =	stream.linear.gather [hbm4b:s15+s3], $0x1400, $0x38;
	[tilespmem:$0x1E500] =	vst v63  }
0x3b: {  	_ =	swait.ge [sflag:s24], $0x1400  }
0x3c: {  	[sflag:s24] =	ssyncset.done $0x0  }
0x3d: {  	s16 =	rddreg [dreg:$0x6];
	[sflag:s24] =	ssyncadd.s32 $0xFFFFEC00  }
0x3e: {  	[tilespmem:s25], [sflag:$0x3] =	stream.linear.gather [hbm4b:s16+s3], $0x1400, $0x38;
	[tilespmem:$0x1E500] =	vst v63  }
0x3f: {  	_ =	swait.ge [sflag:s24], $0x1400  }
0x40: {  	[sflag:s24] =	ssyncset.done $0x0  }
0x41: {  	[sflag:s24] =	ssyncadd.s32 $0xFFFFEC00  }
0x42: {  	[tilespmem:s23], [sflag:$0x1] =	stream.indirect.gather [hbm4b:s1+s26], $0x80, s3, s26, $0xb8;
	[tilespmem:$0x1E500] =	vst v63  }
0x43: {  	s13 =	simm.s32 $0x80  }
0x44: {  	[tilespmem:s28], [sflag:$0x2] =	stream.indirect.gather [hbm4b:s1+s26], $0x80, s13, s26, $0xb8;
	[tilespmem:$0x1E500] =	vst v63  }
0x45: {  	_ =	swait.ge [sflag:s29], $0x3E80  }
0x46: {  	[sflag:s29] =	ssyncset.done $0x0  }
0x47: {  	s14 =	simm.s32 $0x1400;
	[sflag:s29] =	ssyncadd.s32 $0xFFFFC180  }
0x48: {  	[spmem:s2] =	stream.indirect.scatter.add.f32 [tilespmem:s23], [sflag:$0x3], $0x80, s14, s26, $0xb8;
	[tilespmem:$0x1E500] =	vst v63  }
0x49: {  	_ =	swait.ge [sflag:s24], $0x3E80  }
0x4a: {  	[sflag:s24] =	ssyncset.done $0x0  }
0x4b: {  	s15 =	simm.s32 $0x100;
	[sflag:s24] =	ssyncadd.s32 $0xFFFFC180  }
0x4c: {  	[tilespmem:s23], [sflag:$0x1] =	stream.indirect.gather [hbm4b:s1+s26], $0x80, s15, s26, $0xb8;
	[tilespmem:$0x1E500] =	vst v63  }
0x4d: {  	_ =	swait.ge [sflag:s30], $0x3E80  }
0x4e: {  	[sflag:s30] =	ssyncset.done $0x0  }
0x4f: {  	s16 =	simm.s32 $0x1480;
	[sflag:s30] =	ssyncadd.s32 $0xFFFFC180  }
0x50: {  	[spmem:s2] =	stream.indirect.scatter.add.f32 [tilespmem:s28], [sflag:$0x3], $0x80, s16, s26, $0xb8;
	[tilespmem:$0x1E500] =	vst v63  }
0x51: {  	_ =	swait.ge [sflag:s24], $0x3E80  }
0x52: {  	s12 =	simm.s32 $0x100;
	s13 =	simm.s32 $0x800;
	[sflag:s24] =	ssyncset.done $0x0  }
.LBB2_2:
0x53: {  	s14 =	sadd.s32 $0x80, s12  }
0x54: {  	[sflag:s24] =	ssyncadd.s32 $0xFFFFC180;
	s15 =	smov.u32 s13;
	s16 =	sadd.s32 $0x400, s13  }
0x55: {  	[tilespmem:s28], [sflag:$0x2] =	stream.indirect.gather [hbm4b:s1+s26], $0x80, s14, s26, $0xb8;
	[tilespmem:$0x1E500] =	vst v63  }
0x56: {  	p0 =	sne.s32 s13, $0x4800;
	_ =	swait.ge [sflag:s29], $0x3E80  }
0x57: {  	[sflag:s29] =	ssyncset.done $0x0  }
0x58: {  	s13 =	sadd.s32 $0x1400, s12;
	[sflag:s29] =	ssyncadd.s32 $0xFFFFC180  }
0x59: {  	[spmem:s2] =	stream.indirect.scatter.add.f32 [tilespmem:s23], [sflag:$0x3], $0x80, s13, s26, $0xb8;
	[tilespmem:$0x1E500] =	vst v63  }
0x5a: {  	_ =	swait.ge [sflag:s24], $0x3E80  }
0x5b: {  	[sflag:s24] =	ssyncset.done $0x0  }
0x5c: {  	s13 =	sadd.s32 $0x100, s12;
	[sflag:s24] =	ssyncadd.s32 $0xFFFFC180  }
0x5d: {  	[tilespmem:s23], [sflag:$0x1] =	stream.indirect.gather [hbm4b:s1+s26], $0x80, s13, s26, $0xb8;
	[tilespmem:$0x1E500] =	vst v63  }
0x5e: {  	_ =	swait.ge [sflag:s30], $0x3E80  }
.Ltmp0:
0x5f: {  	[sflag:s30] =	ssyncset.done $0x0;
	(pc) =	sbr.rel @p0 .LBB2_2-.Ltmp0, $4  }
0x60: {  	s12 =	sadd.s32 $0x1480, s12;
	[sflag:s30] =	ssyncadd.s32 $0xFFFFC180  }
0x61: {  	[spmem:s2] =	stream.indirect.scatter.add.f32 [tilespmem:s28], [sflag:$0x3], $0x80, s12, s26, $0xb8;
	[tilespmem:$0x1E500] =	vst v63  }
0x62: {  	_ =	swait.ge [sflag:s24], $0x3E80  }
0x63: {  	s13 =	smov.u32 s16;
	s12 =	sshra.s32 s15, $0x2;
	[sflag:s24] =	ssyncset.done $0x0  }
0x64: {  	s13 =	sadd.s32 $0x80, s12;
	[sflag:s24] =	ssyncadd.s32 $0xFFFFC180  }
0x65: {  	[tilespmem:s28], [sflag:$0x2] =	stream.indirect.gather [hbm4b:s1+s26], $0x80, s13, s26, $0xb8;
	[tilespmem:$0x1E500] =	vst v63  }
0x66: {  	_ =	swait.ge [sflag:s29], $0x3E80  }
0x67: {  	[sflag:s29] =	ssyncset.done $0x0  }
0x68: {  	s15 =	sadd.s32 $0x1400, s12;
	[sflag:s29] =	ssyncadd.s32 $0xFFFFC180  }
0x69: {  	[spmem:s2] =	stream.indirect.scatter.add.f32 [tilespmem:s23], [sflag:$0x3], $0x80, s15, s26, $0xb8;
	[tilespmem:$0x1E500] =	vst v63  }
0x6a: {  	_ =	swait.ge [sflag:s24], $0x3E80  }
0x6b: {  	[sflag:s24] =	ssyncset.done $0x0  }
0x6c: {  	s16 =	sadd.s32 $0x100, s12;
	[sflag:s24] =	ssyncadd.s32 $0xFFFFC180  }
0x6d: {  	[tilespmem:s23], [sflag:$0x1] =	stream.indirect.gather [hbm4b:s1+s26], $0x80, s16, s26, $0xb8;
	[tilespmem:$0x1E500] =	vst v63  }
0x6e: {  	_ =	swait.ge [sflag:s30], $0x3E80  }
0x6f: {  	[sflag:s30] =	ssyncset.done $0x0  }
0x70: {  	s13 =	sadd.s32 $0x1480, s12;
	[sflag:s30] =	ssyncadd.s32 $0xFFFFC180  }
0x71: {  	[spmem:s2] =	stream.indirect.scatter.add.f32 [tilespmem:s28], [sflag:$0x3], $0x80, s13, s26, $0xb8;
	[tilespmem:$0x1E500] =	vst v63  }
0x72: {  	_ =	swait.ge [sflag:s24], $0x3E80  }
0x73: {  	[sflag:s24] =	ssyncset.done $0x0  }
0x74: {  	[sflag:s24] =	ssyncadd.s32 $0xFFFFC180  }
0x75: {  	[tilespmem:s28], [sflag:$0x2] =	stream.indirect.gather [hbm4b:s1+s26], $0x80, s31, s26, $0xb8;
	[tilespmem:$0x1E500] =	vst v63  }
0x76: {  	_ =	swait.ge [sflag:s29], $0x3E80  }
0x77: {  	[sflag:s29] =	ssyncset.done $0x0  }
0x78: {  	[sflag:s29] =	ssyncadd.s32 $0xFFFFC180  }
0x79: {  	[spmem:s2] =	stream.indirect.scatter.add.f32 [tilespmem:s23], [sflag:$0x3], $0x80, s0, s26, $0xb8;
	[tilespmem:$0x1E500] =	vst v63  }
0x7a: {  	_ =	swait.ge [sflag:s24], $0x3E80  }
0x7b: {  	[sflag:s24] =	ssyncset.done $0x0  }
0x7c: {  	[sflag:s24] =	ssyncadd.s32 $0xFFFFC180  }
0x7d: {  	_ =	swait.ge [sflag:s30], $0x3E80  }
0x7e: {  	[sflag:s30] =	ssyncset.done $0x0  }
0x7f: {  	[sflag:s30] =	ssyncadd.s32 $0xFFFFC180  }
0x80: {  	[spmem:s2] =	stream.indirect.scatter.add.f32 [tilespmem:s28], [sflag:$0x3], $0x80, s4, s26, $0xb8;
	[tilespmem:$0x1E500] =	vst v63  }
0x81: {  	_ =	swait.ge [sflag:s24], $0x3E80  }
0x82: {  	[sflag:s24] =	ssyncset.done $0x0  }
0x83: {  	s14 =	simm.s32 $0x0;
	s15 =	rddreg [dreg:$0x7];
	[sflag:s24] =	ssyncadd.s32 $0xFFFFC180  }
0x84: {  	[tilespmem:s14], [sflag:$0x3] =	stream.linear.gather [hbm4b:s15+s14], $0x1400, $0x38;
	[tilespmem:$0x1E500] =	vst v63  }
0x85: {  	_ =	swait.ge [sflag:s24], $0x1400  }
0x86: {  	[sflag:s24] =	ssyncset.done $0x0  }
0x87: {  	s16 =	rddreg [dreg:$0x8];
	[sflag:s24] =	ssyncadd.s32 $0xFFFFEC00  }
0x88: {  	[tilespmem:s25], [sflag:$0x3] =	stream.linear.gather [hbm4b:s16+s14], $0x1400, $0x38;
	[tilespmem:$0x1E500] =	vst v63  }
0x89: {  	_ =	swait.ge [sflag:s24], $0x1400  }
0x8a: {  	[sflag:s24] =	ssyncset.done $0x0  }
0x8b: {  	[sflag:s24] =	ssyncadd.s32 $0xFFFFEC00  }
0x8c: {  	[tilespmem:s23], [sflag:$0x1] =	stream.indirect.gather [hbm4b:s1+s26], $0x80, s14, s26, $0xb8;
	[tilespmem:$0x1E500] =	vst v63  }
0x8d: {  	s13 =	simm.s32 $0x80  }
0x8e: {  	[tilespmem:s28], [sflag:$0x2] =	stream.indirect.gather [hbm4b:s1+s26], $0x80, s13, s26, $0xb8;
	[tilespmem:$0x1E500] =	vst v63  }
0x8f: {  	_ =	swait.ge [sflag:s29], $0x3E80  }
0x90: {  	[sflag:s29] =	ssyncset.done $0x0  }
0x91: {  	s14 =	simm.s32 $0x1400;
	[sflag:s29] =	ssyncadd.s32 $0xFFFFC180  }
0x92: {  	[spmem:s2] =	stream.indirect.scatter.add.f32 [tilespmem:s23], [sflag:$0x3], $0x80, s14, s26, $0xb8;
	[tilespmem:$0x1E500] =	vst v63  }
0x93: {  	_ =	swait.ge [sflag:s24], $0x3E80  }
0x94: {  	[sflag:s24] =	ssyncset.done $0x0  }
0x95: {  	s15 =	simm.s32 $0x100;
	[sflag:s24] =	ssyncadd.s32 $0xFFFFC180  }
0x96: {  	[tilespmem:s23], [sflag:$0x1] =	stream.indirect.gather [hbm4b:s1+s26], $0x80, s15, s26, $0xb8;
	[tilespmem:$0x1E500] =	vst v63  }
0x97: {  	_ =	swait.ge [sflag:s30], $0x3E80  }
0x98: {  	[sflag:s30] =	ssyncset.done $0x0  }
0x99: {  	s16 =	simm.s32 $0x1480;
	[sflag:s30] =	ssyncadd.s32 $0xFFFFC180  }
0x9a: {  	[spmem:s2] =	stream.indirect.scatter.add.f32 [tilespmem:s28], [sflag:$0x3], $0x80, s16, s26, $0xb8;
	[tilespmem:$0x1E500] =	vst v63  }
0x9b: {  	_ =	swait.ge [sflag:s24], $0x3E80  }
0x9c: {  	s12 =	simm.s32 $0x100;
	s13 =	simm.s32 $0x800;
	[sflag:s24] =	ssyncset.done $0x0  }
.LBB2_4:
0x9d: {  	s14 =	sadd.s32 $0x80, s12  }
0x9e: {  	[sflag:s24] =	ssyncadd.s32 $0xFFFFC180;
	s15 =	smov.u32 s13;
	s16 =	sadd.s32 $0x400, s13  }
0x9f: {  	[tilespmem:s28], [sflag:$0x2] =	stream.indirect.gather [hbm4b:s1+s26], $0x80, s14, s26, $0xb8;
	[tilespmem:$0x1E500] =	vst v63  }
0xa0: {  	p0 =	sne.s32 s13, $0x4800;
	_ =	swait.ge [sflag:s29], $0x3E80  }
0xa1: {  	[sflag:s29] =	ssyncset.done $0x0  }
0xa2: {  	s13 =	sadd.s32 $0x1400, s12;
	[sflag:s29] =	ssyncadd.s32 $0xFFFFC180  }
0xa3: {  	[spmem:s2] =	stream.indirect.scatter.add.f32 [tilespmem:s23], [sflag:$0x3], $0x80, s13, s26, $0xb8;
	[tilespmem:$0x1E500] =	vst v63  }
0xa4: {  	_ =	swait.ge [sflag:s24], $0x3E80  }
0xa5: {  	[sflag:s24] =	ssyncset.done $0x0  }
0xa6: {  	s13 =	sadd.s32 $0x100, s12;
	[sflag:s24] =	ssyncadd.s32 $0xFFFFC180  }
0xa7: {  	[tilespmem:s23], [sflag:$0x1] =	stream.indirect.gather [hbm4b:s1+s26], $0x80, s13, s26, $0xb8;
	[tilespmem:$0x1E500] =	vst v63  }
0xa8: {  	_ =	swait.ge [sflag:s30], $0x3E80  }
.Ltmp1:
0xa9: {  	[sflag:s30] =	ssyncset.done $0x0;
	(pc) =	sbr.rel @p0 .LBB2_4-.Ltmp1, $4  }
0xaa: {  	s12 =	sadd.s32 $0x1480, s12;
	[sflag:s30] =	ssyncadd.s32 $0xFFFFC180  }
0xab: {  	[spmem:s2] =	stream.indirect.scatter.add.f32 [tilespmem:s28], [sflag:$0x3], $0x80, s12, s26, $0xb8;
	[tilespmem:$0x1E500] =	vst v63  }
0xac: {  	_ =	swait.ge [sflag:s24], $0x3E80  }
0xad: {  	s13 =	smov.u32 s16;
	s12 =	sshra.s32 s15, $0x2;
	[sflag:s24] =	ssyncset.done $0x0  }
0xae: {  	s13 =	sadd.s32 $0x80, s12;
	[sflag:s24] =	ssyncadd.s32 $0xFFFFC180  }
0xaf: {  	[tilespmem:s28], [sflag:$0x2] =	stream.indirect.gather [hbm4b:s1+s26], $0x80, s13, s26, $0xb8;
	[tilespmem:$0x1E500] =	vst v63  }
0xb0: {  	_ =	swait.ge [sflag:s29], $0x3E80  }
0xb1: {  	[sflag:s29] =	ssyncset.done $0x0  }
0xb2: {  	s16 =	sadd.s32 $0x1400, s12;
	[sflag:s29] =	ssyncadd.s32 $0xFFFFC180  }
0xb3: {  	[spmem:s2] =	stream.indirect.scatter.add.f32 [tilespmem:s23], [sflag:$0x3], $0x80, s16, s26, $0xb8;
	[tilespmem:$0x1E500] =	vst v63  }
0xb4: {  	_ =	swait.ge [sflag:s24], $0x3E80  }
0xb5: {  	[sflag:s24] =	ssyncset.done $0x0  }
0xb6: {  	s14 =	sadd.s32 $0x100, s12;
	[sflag:s24] =	ssyncadd.s32 $0xFFFFC180  }
0xb7: {  	[tilespmem:s23], [sflag:$0x1] =	stream.indirect.gather [hbm4b:s1+s26], $0x80, s14, s26, $0xb8;
	[tilespmem:$0x1E500] =	vst v63  }
0xb8: {  	_ =	swait.ge [sflag:s30], $0x3E80  }
0xb9: {  	[sflag:s30] =	ssyncset.done $0x0  }
0xba: {  	s15 =	sadd.s32 $0x1480, s12;
	[sflag:s30] =	ssyncadd.s32 $0xFFFFC180  }
0xbb: {  	[spmem:s2] =	stream.indirect.scatter.add.f32 [tilespmem:s28], [sflag:$0x3], $0x80, s15, s26, $0xb8;
	[tilespmem:$0x1E500] =	vst v63  }
0xbc: {  	_ =	swait.ge [sflag:s24], $0x3E80  }
0xbd: {  	[sflag:s24] =	ssyncset.done $0x0  }
0xbe: {  	[sflag:s24] =	ssyncadd.s32 $0xFFFFC180  }
0xbf: {  	[tilespmem:s28], [sflag:$0x2] =	stream.indirect.gather [hbm4b:s1+s26], $0x80, s31, s26, $0xb8;
	[tilespmem:$0x1E500] =	vst v63  }
0xc0: {  	_ =	swait.ge [sflag:s29], $0x3E80  }
0xc1: {  	[sflag:s29] =	ssyncset.done $0x0  }
0xc2: {  	[sflag:s29] =	ssyncadd.s32 $0xFFFFC180  }
0xc3: {  	[spmem:s2] =	stream.indirect.scatter.add.f32 [tilespmem:s23], [sflag:$0x3], $0x80, s0, s26, $0xb8;
	[tilespmem:$0x1E500] =	vst v63  }
0xc4: {  	_ =	swait.ge [sflag:s24], $0x3E80  }
0xc5: {  	[sflag:s24] =	ssyncset.done $0x0  }
0xc6: {  	[sflag:s24] =	ssyncadd.s32 $0xFFFFC180  }
0xc7: {  	_ =	swait.ge [sflag:s30], $0x3E80  }
0xc8: {  	[sflag:s30] =	ssyncset.done $0x0  }
0xc9: {  	[sflag:s30] =	ssyncadd.s32 $0xFFFFC180  }
0xca: {  	[spmem:s2] =	stream.indirect.scatter.add.f32 [tilespmem:s28], [sflag:$0x3], $0x80, s4, s26, $0xb8;
	[tilespmem:$0x1E500] =	vst v63  }
0xcb: {  	_ =	swait.ge [sflag:s24], $0x3E80  }
0xcc: {  	[sflag:s24] =	ssyncset.done $0x0  }
0xcd: {  	[sflag:s24] =	ssyncadd.s32 $0xFFFFC180  }
0xce: {  	[bflag:$0x0] =	sbarrier.arrive $0xFFFF  }
0xcf: {  	[tilespmem:s23], [sflag:$0x3] =	stream.linear.gather [spmem:s6], $0x3C00, $0x38;
	[tilespmem:$0x1E500] =	vst v63  }
0xd0: {  	_ =	swait.ge [sflag:s24], $0x3C00  }
0xd1: {  	[sflag:s24] =	ssyncset.done $0x0  }
0xd2: {  	s16 =	rddreg [dreg:$0x9];
	[sflag:s24] =	ssyncadd.s32 $0xFFFFC400  }
0xd3: {  	[hbm4b:s16+s3] =	stream.linear.scatter [tilespmem:s23], [sflag:$0x3], $0x3C00, $0x38;
	[tilespmem:$0x1E500] =	vst v63  }
0xd4: {  	_ =	swait.ge [sflag:s24], $0x3C00  }
0xd5: {  	[sflag:s24] =	ssyncset.done $0x0  }
0xd6: {  	[sflag:s24] =	ssyncadd.s32 $0xFFFFC400  }
0xd7: {  	[tilespmem:s23], [sflag:$0x3] =	stream.linear.gather [spmem:s7], $0x3C00, $0x38;
	[tilespmem:$0x1E500] =	vst v63  }
0xd8: {  	_ =	swait.ge [sflag:s24], $0x3C00  }
0xd9: {  	[sflag:s24] =	ssyncset.done $0x0  }
0xda: {  	[sflag:s24] =	ssyncadd.s32 $0xFFFFC400  }
0xdb: {  	[hbm4b:s17+s3] =	stream.linear.scatter [tilespmem:s23], [sflag:$0x3], $0x3C00, $0x38;
	[tilespmem:$0x1E500] =	vst v63  }
0xdc: {  	_ =	swait.ge [sflag:s24], $0x3C00  }
0xdd: {  	[sflag:s24] =	ssyncset.done $0x0  }
0xde: {  	[sflag:s24] =	ssyncadd.s32 $0xFFFFC400  }
0xdf: {  	[tilespmem:s23], [sflag:$0x3] =	stream.linear.gather [spmem:s8], $0x3C00, $0x38;
	[tilespmem:$0x1E500] =	vst v63  }
0xe0: {  	_ =	swait.ge [sflag:s24], $0x3C00  }
0xe1: {  	[sflag:s24] =	ssyncset.done $0x0  }
0xe2: {  	[sflag:s24] =	ssyncadd.s32 $0xFFFFC400  }
0xe3: {  	[hbm4b:s18+s3] =	stream.linear.scatter [tilespmem:s23], [sflag:$0x3], $0x3C00, $0x38;
	[tilespmem:$0x1E500] =	vst v63  }
0xe4: {  	_ =	swait.ge [sflag:s24], $0x3C00  }
0xe5: {  	[sflag:s24] =	ssyncset.done $0x0  }
0xe6: {  	[sflag:s24] =	ssyncadd.s32 $0xFFFFC400  }
0xe7: {  	[tilespmem:s23], [sflag:$0x3] =	stream.linear.gather [spmem:s9], $0x3C00, $0x38;
	[tilespmem:$0x1E500] =	vst v63  }
0xe8: {  	_ =	swait.ge [sflag:s24], $0x3C00  }
0xe9: {  	[sflag:s24] =	ssyncset.done $0x0  }
0xea: {  	[sflag:s24] =	ssyncadd.s32 $0xFFFFC400  }
0xeb: {  	[hbm4b:s19+s3] =	stream.linear.scatter [tilespmem:s23], [sflag:$0x3], $0x3C00, $0x38;
	[tilespmem:$0x1E500] =	vst v63  }
0xec: {  	_ =	swait.ge [sflag:s24], $0x3C00  }
0xed: {  	[sflag:s24] =	ssyncset.done $0x0  }
0xee: {  	[sflag:s24] =	ssyncadd.s32 $0xFFFFC400  }
0xef: {  	[tilespmem:s23], [sflag:$0x3] =	stream.linear.gather [spmem:s10], $0x3C00, $0x38;
	[tilespmem:$0x1E500] =	vst v63  }
0xf0: {  	_ =	swait.ge [sflag:s24], $0x3C00  }
0xf1: {  	[sflag:s24] =	ssyncset.done $0x0  }
0xf2: {  	[sflag:s24] =	ssyncadd.s32 $0xFFFFC400  }
0xf3: {  	[hbm4b:s20+s3] =	stream.linear.scatter [tilespmem:s23], [sflag:$0x3], $0x3C00, $0x38;
	[tilespmem:$0x1E500] =	vst v63  }
0xf4: {  	_ =	swait.ge [sflag:s24], $0x3C00  }
0xf5: {  	[sflag:s24] =	ssyncset.done $0x0  }
0xf6: {  	[sflag:s24] =	ssyncadd.s32 $0xFFFFC400  }
0xf7: {  	[tilespmem:s23], [sflag:$0x3] =	stream.linear.gather [spmem:s11], $0x1400, $0x38;
	[tilespmem:$0x1E500] =	vst v63  }
0xf8: {  	s5 =	sadd.s32 $0x1, s5;
	_ =	swait.ge [sflag:s24], $0x1400  }
0xf9: {  	p0 =	sne.s32 s5, s22;
	[sflag:s24] =	ssyncset.done $0x0  }
.Ltmp2:
0xfa: {  	[sflag:s24] =	ssyncadd.s32 $0xFFFFEC00;
	(pc) =	sbr.rel @p0 .LBB2_1-.Ltmp2, $4  }
0xfb: {  	[hbm4b:s21+s3] =	stream.linear.scatter [tilespmem:s23], [sflag:$0x3], $0x1400, $0x38;
	[tilespmem:$0x1E500] =	vst v63  }
0xfc: {  	_ =	swait.ge [sflag:s24], $0x1400  }
0xfd: {  	[sflag:s24] =	ssyncset.done $0x0  }
0xfe: {  	[sflag:s24] =	ssyncadd.s32 $0xFFFFEC00  }
0xff: {  	_ =	sfence.sel $0x180000  }
0x100: {  	[bflag:$0x0] =	sbarrier.arrive $0xFFFF  }
0x101: {  	_ =	strace $0x9000004A  }
0x102: {  	s0 =	stileid.u32;
	[bflag:$0x2] =	sbarrier.arrive $0xFFFF  }
0x103: {  	p0 =	sne.s32 s0, $0x0;
	s0 =	rddreg [dreg:$0x3]  }
0x104: {  	s0 =	sadd.s32 @!p0 $0x100000, s0  }
0x105: {  	[sflag:s0] =	ssyncadd.tile.s32 @!p0 $0x1;
	_ =	shalt  }
.Lfunc_end2:
_tile_overlayer_lowered:
.L_overlay_start_2:
0x106: {  	(tag) =	ssettag $0x2  }
0x107: {  	s0 =	rddreg [dreg:$0x0];
	s2 =	stileid.u32  }
0x108: {  	s1 =	rddreg [dreg:$0x1];
	p0 =	sne.s32 s2, $0x0  }
0x109: {  	s3 =	rddreg [dreg:$0x2];
	[bflag:$0x3] =	sbarrier.arrive $0xFFFF;
	s2 =	simm.s32 @!p0 $0x1C03  }
0x10a: {  	[timem:s3], [sflag:s2] =	dma.local @!p0 [hbm:s0], s1  }
0x10b: {  	s0 =	simm.s32 @!p0 $0x3  }
0x10c: {  	_ =	swait.ge @!p0 [sflag:s0], s1  }
0x10d: {  	s1 =	ssub.s32 @!p0 $0x0, s1;
	[sflag:s0] =	ssyncset.done @!p0 $0x0  }
0x10e: {  	[sflag:s0] =	ssyncadd.s32 @!p0 s1  }
0x10f: {  	[bflag:$0x3] =	sbarrier.arrive $0xFFFF  }
0x110: {  	_ =	shalt  }

// kernel: kernel.8.cloned.1.call-start
scs
__scs_entry_jumppad:
0x0: {  	(pc) =	sbr.rel $0x88, $3  }
0x1: {  	(tag) =	ssettag $0x0;
	lr =	simm.s32 $0x1  }
0x2: {  	[smem:$0x3F9C] =	sst lr;
	_ =	strace $0xD0000000  }
0x3: {  	_ = 	snop  }
0x4: {  	_ = 	snop  }
0x5: {  	_ = 	snop  }
0x6: {  	_ = 	snop  }
0x7: {  	_ = 	snop  }
__scs_overlays_trampoline_lowered:
0x8: {  	[smem:$0x3FAB] =	sst s0  }
0x9: {  	[smem:$0x3FAC] =	sst s1  }
0xa: {  	[smem:$0x3FAD] =	sst s2  }
0xb: {  	[smem:$0x3FAE] =	sst s3  }
0xc: {  	[smem:$0x3FAF] =	sst s4  }
0xd: {  	[smem:$0x3FB0] =	sst s5  }
0xe: {  	[smem:$0x3FB1] =	sst s6  }
0xf: {  	[smem:$0x3FB2] =	sst s7  }
0x10: {  	[smem:$0x3FB3] =	sst s8  }
0x11: {  	[smem:$0x3FB4] =	sst s9;
	s0 =	simm.s32 @!p0 $0x0  }
0x12: {  	s1 =	sld [smem:$0x3F9A];
	s0 =	simm.s32 @p0 $0x1  }
0x13: {  	[smem:$0x3FB5] =	sst s0;
	s0 =	simm.s32 @!p1 $0x0  }
0x14: {  	s2 =	sld [smem:$0x3F99];
	s0 =	simm.s32 @p1 $0x1  }
0x15: {  	[smem:$0x3FB6] =	sst s0;
	s0 =	simm.s32 @!p2 $0x0  }
0x16: {  	s3 =	sld [smem:$0x3FDB];
	s0 =	simm.s32 @p2 $0x1  }
0x17: {  	s4 =	simm.s32 $0x1BF5;
	[smem:$0x3FB8] =	sst s0  }
0x18: {  	s0 =	sld [smem:$0x3F9B];
	_ =	swait.ge [sflag:s4], $0x0  }
0x19: {  	s7 =	sld [smem:$0x3F9C]  }
0x1a: {  	s8 =	sadd.s32 $0xFFFFE003, lr  }
0x1b: {  	s9 =	sadd.s32 $0xFFFFFEF7, lr;
	s5 =	simm.s32 $0xFFFFFFFF;
	p2 =	slt.u32 s8, $0xFFFFF086  }
0x1c: {  	p1 =	slt.u32 s9, $0xF7A;
	s5 =	simm.s32 @!p2 $0x0  }
0x1d: {  	s5 =	simm.s32 @p1 $0x1;
	p0 =	seq.s32 s7, s2  }
0x1e: {  	s7 =	smul.u32 @!p0 $0xF7A, s2;
	p2 =	seq.s32 @!p0 s5, $0x0  }
0x1f: {  	s9 =	smul.u32 $0xF7A, s1;
	s8 =	simm.s32 @!p0 $0x1BF5;
	p2 =	por !p2, p0  }
0x20: {  	[sflag:s8] =	ssyncset.s32 @!p0 $0xFFFFF086;
	s6 =	sadd.s32 @!p0 s3, s7;
	s7 =	simm.s32 @!p0 $0x108  }
0x21: {  	s3 =	sadd.s32 s3, s9;
	s6 =	sadd.s32 @!p0 $0x88, s6;
	s7 =	simm.s32 @p2 $0x1082  }
0x22: {  	[simem:s7], [sflag:s8] =	dma.local @!p0 [hbm:s6], $0xF7A  }
0x23: {  	s9 =	sor.u32 $0xD0000000, s2;
	s6 =	simm.s32 $0x108;
	_ =	swait.ge @!p0 [sflag:s8], $0x0  }
0x24: {  	s3 =	sadd.s32 $0x88, s3;
	s6 =	simm.s32 @!p1 $0x1082;
	[sflag:s4] =	ssyncset.s32 $0xFFFFF086  }
0x25: {  	[simem:s6], [sflag:s4] =	dma.local [hbm:s3], $0xF7A  }
0x26: {  	[smem:$0x3F9C] =	sst s1;
	(tag) =	ssettag s2;
	_ =	strace s9  }
0x27: {  	s1 =	sld [smem:$0x3FAC]  }
0x28: {  	s2 =	sld [smem:$0x3FAD]  }
0x29: {  	s4 =	sld [smem:$0x3FAF]  }
0x2a: {  	p0 =	seq.s32 s5, $0x0;
	s5 =	sld [smem:$0x3FB0]  }
0x2b: {  	s6 =	sld [smem:$0x3FB1]  }
0x2c: {  	s7 =	sld [smem:$0x3FB2]  }
0x2d: {  	s3 =	simm.s32 $0x108;
	s8 =	sld [smem:$0x3FB3]  }
0x2e: {  	s3 =	simm.s32 @!p0 $0x1082;
	s9 =	sld [smem:$0x3FB4]  }
0x2f: {  	lr =	sadd.s32 s0, s3;
	s0 =	sld [smem:$0x3FAB]  }
0x30: {  	s3 =	sld [smem:$0x3FAE]  }
0x31: {  	[smem:$0x3FB7] =	sst s10  }
0x32: {  	s10 =	sld [smem:$0x3FB5];
	_ =	sdelay $0x3  }
0x33: {  	p0 =	seq.s32 s10, $0x1;
	s10 =	sld [smem:$0x3FB7];
	_ =	sdelay $0x3  }
0x34: {  	[smem:$0x3FB7] =	sst s10  }
0x35: {  	s10 =	sld [smem:$0x3FB6];
	_ =	sdelay $0x3  }
0x36: {  	p1 =	seq.s32 s10, $0x1;
	s10 =	sld [smem:$0x3FB7];
	_ =	sdelay $0x3  }
0x37: {  	[smem:$0x3FB7] =	sst s10  }
0x38: {  	s10 =	sld [smem:$0x3FB8]  }
0x39: {  	_ = 	snop;
	(pc) =	sbr.ind lr, $3  }
0x3a: {  	_ = 	snop  }
0x3b: {  	_ = 	snop  }
0x3c: {  	p2 =	seq.s32 s10, $0x1;
	s10 =	sld [smem:$0x3FB7]  }
0x3d: {  	_ =	shalt  }
0x3e: {  	_ =	shalt  }
0x3f: {  	_ =	shalt  }
0x40: {  	_ =	shalt  }
0x41: {  	_ =	shalt  }
0x42: {  	_ =	shalt  }
0x43: {  	_ =	shalt  }
0x44: {  	_ =	shalt  }
0x45: {  	_ =	shalt  }
0x46: {  	_ =	shalt  }
0x47: {  	_ =	shalt  }
0x48: {  	_ =	shalt  }
0x49: {  	_ =	shalt  }
0x4a: {  	_ =	shalt  }
0x4b: {  	_ =	shalt  }
0x4c: {  	_ =	shalt  }
0x4d: {  	_ =	shalt  }
0x4e: {  	_ =	shalt  }
0x4f: {  	_ =	shalt  }
0x50: {  	_ =	shalt  }
0x51: {  	_ =	shalt  }
0x52: {  	_ =	shalt  }
0x53: {  	_ =	shalt  }
0x54: {  	_ =	shalt  }
0x55: {  	_ =	shalt  }
0x56: {  	_ =	shalt  }
0x57: {  	_ =	shalt  }
0x58: {  	_ =	shalt  }
0x59: {  	_ =	shalt  }
0x5a: {  	_ =	shalt  }
0x5b: {  	_ =	shalt  }
0x5c: {  	_ =	shalt  }
0x5d: {  	_ =	shalt  }
0x5e: {  	_ =	shalt  }
0x5f: {  	_ =	shalt  }
0x60: {  	_ =	shalt  }
0x61: {  	_ =	shalt  }
0x62: {  	_ =	shalt  }
0x63: {  	_ =	shalt  }
0x64: {  	_ =	shalt  }
0x65: {  	_ =	shalt  }
0x66: {  	_ =	shalt  }
0x67: {  	_ =	shalt  }
0x68: {  	_ =	shalt  }
0x69: {  	_ =	shalt  }
0x6a: {  	_ =	shalt  }
0x6b: {  	_ =	shalt  }
0x6c: {  	_ =	shalt  }
0x6d: {  	_ =	shalt  }
0x6e: {  	_ =	shalt  }
0x6f: {  	_ =	shalt  }
0x70: {  	_ =	shalt  }
0x71: {  	_ =	shalt  }
0x72: {  	_ =	shalt  }
0x73: {  	_ =	shalt  }
0x74: {  	_ =	shalt  }
0x75: {  	_ =	shalt  }
0x76: {  	_ =	shalt  }
0x77: {  	_ =	shalt  }
0x78: {  	_ =	shalt  }
0x79: {  	_ =	shalt  }
0x7a: {  	_ =	shalt  }
0x7b: {  	_ =	shalt  }
0x7c: {  	_ =	shalt  }
0x7d: {  	_ =	shalt  }
0x7e: {  	_ =	shalt  }
0x7f: {  	_ =	shalt  }
0x80: {  	_ =	shalt  }
0x81: {  	_ =	shalt  }
0x82: {  	_ =	shalt  }
0x83: {  	_ =	shalt  }
0x84: {  	_ =	shalt  }
0x85: {  	_ =	shalt  }
0x86: {  	_ =	shalt  }
0x87: {  	_ =	shalt  }
.Lfunc_end0:
.L_simem_size_0:
called_computation_lowered:
.L_overlay_start_0:
0x88: {  	s2 =	sld [smem:$0x3FD9]  }
0x89: {  	s3 =	sld [smem:$0x3FFE];
	_ =	sdelay $0x1  }
0x8a: {  	s1 =	srdreg.scid  }
0x8b: {  	s0 =	sand.u32 $0x1, s1  }
0x8c: {  	s17 =	sshll.u32 s0, $0xA;
	s2 =	sadd.s32 s3, s2  }
0x8d: {  	s2 =	sadd.s32 s2, s17  }
0x8e: {  	[smem:$0x3FC3] =	sst s2  }
0x8f: {  	_ = 	snop  }
0x90: {  	s2 =	sld [smem:$0x3FD0];
	(tm) =	ssettm $0x1  }
0x91: {  	s18 =	sld [smem:$0x3FFB];
	_ =	sdelay $0x3  }
0x92: {  	_ =	strace s18  }
0x93: {  	s3 =	sld [smem:$0x3FFC];
	_ =	sdelay $0x3  }
0x94: {  	_ =	strace s3  }
0x95: {  	s3 =	sld [smem:$0x3FFD];
	_ =	sdelay $0x3  }
0x96: {  	_ =	strace s3  }
0x97: {  	_ =	strace $0x8FFFFFFF  }
0x98: {  	s19 =	sld [smem:$0x3FDB];
	_ =	sdelay $0x1  }
0x99: {  	s4 =	simm.s32 $_scs_section_size  }
0x9a: {  	s5 =	simm.s32 $_size__tile_overlayer_lowered;
	s6 =	simm.s32 $_tile_overlayer_lowered  }
0x9b: {  	s22 =	simm.s32 $0x1BFF;
	s21 =	sshll.u32 s6, $0x1;
	s3 =	sadd.s32 s4, s19  }
0x9c: {  	s7 =	simm.s32 $0x0;
	s20 =	sshll.u32 s5, $0x1;
	s5 =	sadd.s32 s21, s3  }
0x9d: {  	[timem:s7], [sflag:s22] =	dma.local [hbm:s5], s20  }
0x9e: {  	_ =	swait.ge [sflag:s22], s20  }
0x9f: {  	s4 =	ssub.s32 $0x0, s20;
	[sflag:s22] =	ssyncset.done $0x0  }
0xa0: {  	[sflag:s22] =	ssyncadd.s32 s4;
	_ =	sdelay $0x1  }
0xa1: {  	s23 =	simm.s32 $0x1B8B  }
0xa2: {  	_ =	swait.ge [sflag:s23], $0x1  }
0xa3: {  	[sflag:s23] =	ssyncset.done $0x0  }
0xa4: {  	s25 =	simm.s32 $0x1B8E;
	s24 =	sld [smem:$0x3FFE];
	[sflag:s23] =	ssyncadd.s32 $0xFFFFFFFF  }
0xa5: {  	s26 =	simm.s32 $execute0_lowered;
	[smem:$0x3FD2] =	sst s25  }
0xa6: {  	s5 =	sshll.u32 s26, $0x1;
	_ =	strace $0x80000046;
	[dreg:$0x1] =	wrdreg $0xFFFFFFFF  }
0xa7: {  	s28 =	simm.s32 $_size_execute0_lowered;
	s3 =	sadd.s32 s3, s5;
	[dreg:$0x0] =	wrdreg $0x0  }
0xa8: {  	s5 =	sshll.u32 s28, $0x1;
	[dreg:$0x2] =	wrdreg s3  }
0xa9: {  	[dreg:$0x3] =	wrdreg s5  }
0xaa: {  	[dreg:$0x4] =	wrdreg $0xC0  }
0xab: {  	_ =	task [dreg:s7], $0x5FFFF  }
0xac: {  	[dreg:$0x1] =	wrdreg $0xFFFFFFFF  }
0xad: {  	[dreg:$0x0] =	wrdreg $0x60  }
0xae: {  	[dreg:$0x2] =	wrdreg s24  }
0xaf: {  	[dreg:$0x3] =	wrdreg s2  }
0xb0: {  	[dreg:$0x4] =	wrdreg $0x3FE80  }
0xb1: {  	[dreg:$0x5] =	wrdreg $0x9  }
0xb2: {  	_ =	task.clear_ibuf [dreg:s7], $0x6FFFF;
	_ =	strace $0x90000046  }
0xb3: {  	s29 =	simm.s32 $0x9;
	_ =	strace $0x80000048  }
0xb4: {  	_ =	swait.ge [sflag:s29], $0x1  }
0xb5: {  	[sflag:s29] =	ssyncadd.s32 $0xFFFFFFFF  }
0xb6: {  	_ =	strace $0x90000048  }
0xb7: {  	_ =	sfence  }
0xb8: {  	s30 =	sld [smem:$0x0];
	_ =	sdelay $0x2  }
0xb9: {  	s31 =	sshll.u32 s1, $0xD;
	s1 =	sshrl.u32 s1, $0x2  }
0xba: {  	s3 =	sand.u32 $0x4000, s31;
	s1 =	sadd.s32 s1, s30  }
0xbb: {  	s0 =	sor.u32 s3, s0;
	s1 =	sshll.u32 s1, $0x11  }
0xbc: {  	s0 =	sor.u32 s1, s0  }
0xbd: {  	s0 =	sadd.s32 $0x8F2B, s0  }
0xbe: {  	[sflag:s0] =	ssyncadd.remote.s32 $0x1  }
0xbf: {  	_ =	sfence.sel $0xFFFF  }
0xc0: {  	[dreg:$0x0] =	wrdreg $0xFFFFFFFF;
	(pc) =	sbr.abs _section_cstart, $3  }
0xc1: {  	[dreg:$0x1] =	wrdreg $0xFFFFFFFF  }
0xc2: {  	_ =	task.clear_ibuf [dreg:s7], $0x2FFFF;
	_ =	strace $0x9FFFFFFF  }
0xc3: {  	(tm) =	ssettm $0x7FFFFFFF  }
tec
execute0_lowered:
.L_overlay_start_1:
0x0: {  	(tag) =	ssettag $0x1  }
0x1: {  	s5 =	rddreg [dreg:$0x0]  }
0x2: {  	s8 =	rddreg [dreg:$0x1]  }
0x3: {  	s0 =	srdreg.scid;
	s2 =	rddreg [dreg:$0x2];
	s3 =	simm.s32 $0x0  }
0x4: {  	s12 =	simm.s32 $0x2800;
	s4 =	sand.u32 $0x1, s0;
	s0 =	stileid.u32  }
0x5: {  	s13 =	simm.s32 $0x7D;
	s14 =	simm.s32 $0x0;
	s7 =	smul.u32 $0x1400, s0  }
0x6: {  	[smem:$0x7FF] =	sst s3;
	s1 =	sshll.u32 s4, $0x4;
	s9 =	smul.u32 $0x14000, s4  }
0x7: {  	s31 =	ssub.s32 $0x2, s4;
	s4 =	sadd.s32 $0xC000, s5;
	s1 =	sor.u32 s0, s1  }
0x8: {  	s11 =	sshrl.u32 s31, $0x1;
	s6 =	smul.u32 $0x500, s1;
	s1 =	rddreg [dreg:$0x3]  }
0x9: {  	_ =	strace $0x80000047;
	s9 =	sadd.s32 s7, s9;
	s11 =	ssub.s32 s31, s11  }
0xa: {  	s9 =	sshrl.u32 s9, $0x3;
	s10 =	sadd.s32 s6, s5;
	s5 =	sadd.s32 $0xBC00, s5  }
0xb: {  	s6 =	sadd.s32 s7, s2;
	s8 =	sadd.s32 s8, s9;
	s9 =	smax.u32 s11, $0x1  }
0xc: {  	s11 =	simm.s32 $0x1;
	s7 =	sadd.s32 $0x1C00, s10;
	s10 =	simm.s32 $0x2BE8  }
.LBB2_1:
0xd: {  	[tilespmem:s10], [sflag:$0x1] =	stream.linear.gather [hbm4b:s5+s3], $0x1400, $0x38;
	[tilespmem:$0x53E8] =	vst v63  }
0xe: {  	_ =	swait.ge [sflag:s11], $0x1400  }
0xf: {  	[sflag:s11] =	ssyncset.done $0x0  }
0x10: {  	[sflag:s11] =	ssyncadd.s32 $0xFFFFEC00  }
0x11: {  	[spmem:s6] =	stream.linear.scatter [tilespmem:s10], [sflag:$0x1], $0x1400, $0x38;
	[tilespmem:$0x53E8] =	vst v63  }
0x12: {  	_ =	swait.ge [sflag:s11], $0x1400  }
0x13: {  	[sflag:s11] =	ssyncset.done $0x0  }
0x14: {  	[sflag:s11] =	ssyncadd.s32 $0xFFFFEC00  }
0x15: {  	[tilespmem:s12], [sflag:$0x1] =	stream.linear.gather [hbm4b:s4+s3], $0x3E8, $0x38;
	[tilespmem:$0x53E8] =	vst v63  }
0x16: {  	_ =	swait.ge [sflag:s11], $0x3E8  }
0x17: {  	[sflag:s11] =	ssyncset.done $0x0  }
0x18: {  	[sflag:s11] =	ssyncadd.s32 $0xFFFFFC18  }
0x19: {  	[tilespmem:s3], [sflag:$0x1] =	stream.linear.gather [hbm4b:s7+s3], $0x2800, $0x38;
	[tilespmem:$0x53E8] =	vst v63  }
0x1a: {  	_ =	swait.ge [sflag:s11], $0x2800  }
0x1b: {  	[sflag:s11] =	ssyncset.done $0x0  }
0x1c: {  	[sflag:s11] =	ssyncadd.s32 $0xFFFFD800  }
0x1d: {  	s15 =	simm.s32 $0x0;
	[bflag:$0x0] =	sbarrier.arrive $0xFFFF  }
0x1e: {  	[spmem:s2] =	stream.indirect.scatter.add.f32 [tilespmem:s12], [sflag:$0x1], $0x8, s15, s13, $0xb8;
	[tilespmem:$0x53E8] =	vst v63  }
0x1f: {  	_ =	swait.ge [sflag:s11], $0x3E8  }
0x20: {  	s15 =	simm.s32 $0x200;
	[sflag:s11] =	ssyncset.done $0x0  }
.LBB2_2:
0x21: {  	s16 =	sshra.s32 s15, $0x2;
	[sflag:s11] =	ssyncadd.s32 $0xFFFFFC18;
	p0 =	sne.s32 s15, $0x9E00  }
0x22: {  	[spmem:s2] =	stream.indirect.scatter.add.f32 [tilespmem:s12], [sflag:$0x1], $0x8, s16, s13, $0xb8;
	[tilespmem:$0x53E8] =	vst v63  }
.Ltmp0:
0x23: {  	_ = 	snop;
	(pc) =	sbr.rel @p0 .LBB2_2-.Ltmp0, $4  }
0x24: {  	_ = 	snop  }
0x25: {  	s15 =	sadd.s32 $0x200, s15  }
0x26: {  	_ =	swait.ge [sflag:s11], $0x3E8  }
0x27: {  	[sflag:s11] =	ssyncset.done $0x0  }
0x28: {  	[sflag:s11] =	ssyncadd.s32 $0xFFFFFC18  }
0x29: {  	[bflag:$0x0] =	sbarrier.arrive $0xFFFF  }
0x2a: {  	[tilespmem:s10], [sflag:$0x1] =	stream.linear.gather [spmem:s6], $0x1400, $0x38;
	[tilespmem:$0x53E8] =	vst v63  }
0x2b: {  	s14 =	sadd.s32 $0x1, s14;
	_ =	swait.ge [sflag:s11], $0x1400  }
0x2c: {  	p0 =	sne.s32 s14, s9;
	[sflag:s11] =	ssyncset.done $0x0  }
.Ltmp1:
0x2d: {  	[sflag:s11] =	ssyncadd.s32 $0xFFFFEC00;
	(pc) =	sbr.rel @p0 .LBB2_1-.Ltmp1, $4  }
0x2e: {  	[hbm4b:s8+s3] =	stream.linear.scatter [tilespmem:s10], [sflag:$0x1], $0x1400, $0x38;
	[tilespmem:$0x53E8] =	vst v63  }
0x2f: {  	_ =	swait.ge [sflag:s11], $0x1400  }
0x30: {  	[sflag:s11] =	ssyncset.done $0x0  }
0x31: {  	[sflag:s11] =	ssyncadd.s32 $0xFFFFEC00  }
0x32: {  	_ =	sfence.sel $0x180000  }
0x33: {  	[bflag:$0x0] =	sbarrier.arrive $0xFFFF  }
0x34: {  	p0 =	sne.s32 s0, $0x0;
	_ =	strace $0x90000047  }
0x35: {  	s0 =	sadd.s32 @!p0 $0x100000, s1;
	[bflag:$0x2] =	sbarrier.arrive $0xFFFF  }
0x36: {  	[sflag:s0] =	ssyncadd.tile.s32 @!p0 $0x1;
	_ =	shalt  }
.Lfunc_end2:
_tile_overlayer_lowered:
.L_overlay_start_2:
0x37: {  	(tag) =	ssettag $0x2  }
0x38: {  	s0 =	rddreg [dreg:$0x0];
	s2 =	stileid.u32  }
0x39: {  	s1 =	rddreg [dreg:$0x1];
	p0 =	sne.s32 s2, $0x0  }
0x3a: {  	s3 =	rddreg [dreg:$0x2];
	[bflag:$0x3] =	sbarrier.arrive $0xFFFF;
	s2 =	simm.s32 @!p0 $0x1C01  }
0x3b: {  	[timem:s3], [sflag:s2] =	dma.local @!p0 [hbm:s0], s1  }
0x3c: {  	s0 =	simm.s32 @!p0 $0x1  }
0x3d: {  	_ =	swait.ge @!p0 [sflag:s0], s1  }
0x3e: {  	s1 =	ssub.s32 @!p0 $0x0, s1;
	[sflag:s0] =	ssyncset.done @!p0 $0x0  }
0x3f: {  	[sflag:s0] =	ssyncadd.s32 @!p0 s1  }
0x40: {  	[bflag:$0x3] =	sbarrier.arrive $0xFFFF  }
0x41: {  	_ =	shalt  }

</sc_bundles>
